<compile_context>
chip_gen: v7x
topology: tpu7x:2x2x1
jax: 0.10.2.dev20260603
libtpu: 0.0.44.dev20260713+nightly
codegen_flags: <defaults>
</compile_context>

<pallas_src>
import functools

import jax
import jax.numpy as jnp
import numpy as np
from jax import lax
from jax.experimental import pallas as pl
from jax.experimental.pallas import tpu as pltpu
from jax.experimental.pallas import tpu_sc as plsc

_DIM = 64
_PAD = 128
_BATCH = 16384
_FIELDS = 26
_FPAD = 32

_NC = 2
_NS = 16
_NW = _NC * _NS
_TOTAL = _BATCH * _FPAD
_PER_W = _TOTAL // _NW
_C = 128
_NCH = _PER_W // _C
_GSUB = 2
_G = _C * _GSUB
_NBIG = _PER_W // _G
_DEPTH = 3


def _make_gather():
    mesh = plsc.VectorSubcoreMesh(core_axis_name="c", subcore_axis_name="s")

    @functools.partial(
        pl.kernel,
        mesh=mesh,
        compiler_params=pltpu.CompilerParams(use_tc_tiling_on_sc=True),
        out_type=jax.ShapeDtypeStruct((_TOTAL, _PAD), jnp.float32),
        scratch_types=[
            pltpu.VMEM((_NCH, _C), jnp.int32),
            pltpu.VMEM((_DEPTH, _G, _PAD), jnp.float32),
            pltpu.SemaphoreType.DMA((_DEPTH,)),
        ],
    )
    def gather_k(table_hbm, idx_hbm, out_hbm, idx_v, rows_v, sems):
        wid = lax.axis_index("s") * _NC + lax.axis_index("c")
        pltpu.sync_copy(idx_hbm.at[wid], idx_v)
        base = wid * _PER_W

        def fire(g, b):
            for j in range(_GSUB * _C // _FPAD):
                pltpu.async_copy(
                    table_hbm.at[
                        idx_v.at[g * _GSUB + j // 4, pl.ds(j % 4 * _FPAD, _FIELDS)]
                    ],
                    rows_v.at[b, pl.ds(j * _FPAD, _FIELDS)],
                    sems.at[b],
                )

        for d in range(_DEPTH):
            fire(d, d)

        def body(g, carry):
            b = lax.rem(g, _DEPTH)
            nreal = _G // _FPAD * _FIELDS
            pltpu.make_async_copy(
                out_hbm.at[pl.ds(0, nreal)],
                rows_v.at[b, pl.ds(0, nreal)],
                sems.at[b],
            ).wait()
            pltpu.sync_copy(rows_v.at[b], out_hbm.at[pl.ds(base + g * _G, _G)])

            @pl.when(g + _DEPTH < _NBIG)
            def _():
                fire(g + _DEPTH, b)

            return carry

        lax.fori_loop(0, _NBIG, body, 0)

    return gather_k


_gather = _make_gather()

_WIDEN = np.eye(_DIM, _PAD, dtype=np.float32)


@jax.jit
def kernel(batch, embeddings):
    idx = jnp.pad(batch.astype(jnp.int32), ((0, 0), (0, _FPAD - _FIELDS)))
    idx = idx.reshape(_NW, _NCH, _C)
    table = lax.dot_general(
        embeddings,
        _WIDEN,
        (((1,), (0,)), ((), ())),
        precision=lax.Precision.HIGH,
    )
    out = _gather(table, idx)
    out = out.reshape(_BATCH, _FPAD, _PAD)
    return out[:, :_FIELDS, :_DIM]

# --- scband reference (transcript-rebuilt; emitter-appended) ---
"""Pipeline reference for scband-embedding-30176440221862 (READ-ONLY COPY).

The authoritative reference and input builder live on the scoring server;
editing this copy changes nothing except your own understanding.
"""

import jax, jax.numpy as jnp
import numpy as np

SIZE = 1000000
DIM = 64
BATCH = 16384
FIELDS = 26

def setup_inputs(seed: int = 0) -> dict:
    key = jax.random.key(seed)
    k_idx, k_emb = jax.random.split(key)
    batch = jax.random.randint(k_idx, (BATCH, FIELDS), 0, SIZE, dtype=jnp.int64 if jax.config.jax_enable_x64 else jnp.int32)
    embeddings = jax.random.uniform(k_emb, (SIZE, DIM), dtype=jnp.float32)
    return {"batch": batch, "embeddings": embeddings}

def reference(batch, embeddings):
    # self.embeddings[batch] -> gather rows
    return jnp.take(embeddings, batch, axis=0)

if __name__ == "__main__":
    import jax
    _d = setup_inputs()
    print(jax.jit(kernel)(*tuple(_d.values())))

</pallas_src>

<mosaic_0001>
#map = affine_map<(d0, d1) -> (0, 0)>
#map1 = affine_map<(d0, d1) -> (0, 0, 0)>
module attributes {stable_mosaic.version = 14 : i64} {
  func.func @gather_k(%arg0: i32, %arg1: i32, %arg2: memref<1000000x128xf32, #tpu.memory_space<hbm>>, %arg3: memref<32x128x128xi32, #tpu.memory_space<hbm>>, %arg4: memref<524288x128xf32, #tpu.memory_space<hbm>>, %arg5: memref<128x128xi32, #tpu.memory_space<vmem>>, %arg6: memref<3x256x128xf32, #tpu.memory_space<vmem>>, %arg7: memref<3x!tpu.dma_semaphore, #tpu.memory_space<semaphore_mem>>) attributes {dimension_semantics = [#tpu.dimension_semantics<core_parallel>, #tpu.dimension_semantics<subcore_parallel>], iteration_bounds = array<i64: 2, 16>, scalar_prefetch = 0 : i64, scratch_operands = 3 : i64, tpu.core_type = #tpu.core_type<sc_vector_subcore>, window_params = [{transform_indices = #map}, {transform_indices = #map1}, {transform_indices = #map}]} {
    %mul3A = arith.constant 2 : i32
    %mul3A_0 = arith.muli %arg1, %mul3A : i32
    %add3A = arith.addi %mul3A_0, %arg0 : i32
    "tpu.region"() ({
      %run_scoped3A = tpu.sem_alloc : memref<!tpu.dma_semaphore, #tpu.memory_space<semaphore_mem>>
      %dma_start3A_367 = arith.constant 0 : i32
      %dma_start3A_368 = arith.constant 0 : i32
      %dma_start3A_369 = tpu.memref_slice %arg3[%add3A, %dma_start3A_367, %dma_start3A_368] : memref<32x128x128xi32, #tpu.memory_space<hbm>> -> memref<1x128x128xi32, #tpu.memory_space<hbm>>
      %dma_start3A_370 = tpu.memref_squeeze %dma_start3A_369 : memref<1x128x128xi32, #tpu.memory_space<hbm>> -> memref<128x128xi32, #tpu.memory_space<hbm>>
      %dma_start3A_371 = arith.constant 0 : i32
      %dma_start3A_372 = arith.constant 0 : i32
      %dma_start3A_373 = tpu.memref_slice %arg3[%add3A, %dma_start3A_371, %dma_start3A_372] : memref<32x128x128xi32, #tpu.memory_space<hbm>> -> memref<1x128x128xi32, #tpu.memory_space<hbm>>
      %dma_start3A_374 = tpu.memref_squeeze %dma_start3A_373 : memref<1x128x128xi32, #tpu.memory_space<hbm>> -> memref<128x128xi32, #tpu.memory_space<hbm>>
      tpu.enqueue_dma source(%dma_start3A_374 : memref<128x128xi32, #tpu.memory_space<hbm>>) target(%arg5 : memref<128x128xi32, #tpu.memory_space<vmem>>) target_semaphore(%run_scoped3A : memref<!tpu.dma_semaphore, #tpu.memory_space<semaphore_mem>>)
      %dma_wait3A = arith.constant 0 : i32
      %dma_wait3A_375 = arith.constant 0 : i32
      %dma_wait3A_376 = tpu.memref_slice %arg3[%add3A, %dma_wait3A, %dma_wait3A_375] : memref<32x128x128xi32, #tpu.memory_space<hbm>> -> memref<1x128x128xi32, #tpu.memory_space<hbm>>
      %dma_wait3A_377 = tpu.memref_squeeze %dma_wait3A_376 : memref<1x128x128xi32, #tpu.memory_space<hbm>> -> memref<128x128xi32, #tpu.memory_space<hbm>>
      %dma_wait3A_378 = arith.constant 0 : i32
      %dma_wait3A_379 = arith.constant 0 : i32
      %dma_wait3A_380 = tpu.memref_slice %arg3[%add3A, %dma_wait3A_378, %dma_wait3A_379] : memref<32x128x128xi32, #tpu.memory_space<hbm>> -> memref<1x128x128xi32, #tpu.memory_space<hbm>>
      %dma_wait3A_381 = tpu.memref_squeeze %dma_wait3A_380 : memref<1x128x128xi32, #tpu.memory_space<hbm>> -> memref<128x128xi32, #tpu.memory_space<hbm>>
      tpu.wait_dma2 semaphore(%run_scoped3A : memref<!tpu.dma_semaphore, #tpu.memory_space<semaphore_mem>>) src(%dma_wait3A_381 : memref<128x128xi32, #tpu.memory_space<hbm>>) dst(%arg5 : memref<128x128xi32, #tpu.memory_space<vmem>>)
      tpu.yield
    }) : () -> ()
    %mul3A_1 = arith.constant 16384 : i32
    %mul3A_2 = arith.muli %add3A, %mul3A_1 : i32
    %dma_start3A = arith.constant 0 : i32
    %dma_start3A_3 = arith.constant 0 : i32
    %dma_start3A_4 = arith.constant 0 : i32
    %dma_start3A_5 = arith.constant 0 : i32
    %dma_start3A_6 = arith.constant 0 : i32
    %dma_start3A_7 = tpu.memref_slice %arg6[%dma_start3A_3, %dma_start3A_5, %dma_start3A_6] : memref<3x256x128xf32, #tpu.memory_space<vmem>> -> memref<1x26x128xf32, #tpu.memory_space<vmem>>
    %dma_start3A_8 = tpu.memref_squeeze %dma_start3A_7 : memref<1x26x128xf32, #tpu.memory_space<vmem>> -> memref<26x128xf32, #tpu.memory_space<vmem>>
    %dma_start3A_9 = arith.constant 0 : i32
    %dma_start3A_10 = tpu.memref_slice %arg5[%dma_start3A, %dma_start3A_9] : memref<128x128xi32, #tpu.memory_space<vmem>> -> memref<1x26xi32, #tpu.memory_space<vmem>>
    %dma_start3A_11 = tpu.memref_squeeze %dma_start3A_10 : memref<1x26xi32, #tpu.memory_space<vmem>> -> memref<26xi32, #tpu.memory_space<vmem>>
    %dma_start3A_12 = arith.constant 0 : i32
    %dma_start3A_13 = arith.constant 0 : i32
    %dma_start3A_14 = tpu.memref_slice %arg2[%dma_start3A_12, %dma_start3A_13] : memref<1000000x128xf32, #tpu.memory_space<hbm>> -> memref<1000000x128xf32, #tpu.memory_space<hbm>>
    %dma_start3A_15 = tpu.memref_slice %arg7[%dma_start3A_4] : memref<3x!tpu.dma_semaphore, #tpu.memory_space<semaphore_mem>> -> memref<1x!tpu.dma_semaphore, #tpu.memory_space<semaphore_mem>>
    %dma_start3A_16 = tpu.memref_squeeze %dma_start3A_15 : memref<1x!tpu.dma_semaphore, #tpu.memory_space<semaphore_mem>> -> memref<!tpu.dma_semaphore, #tpu.memory_space<semaphore_mem>>
    tpu.enqueue_indirect_dma source(%dma_start3A_14 : memref<1000000x128xf32, #tpu.memory_space<hbm>>) target(%dma_start3A_8 : memref<26x128xf32, #tpu.memory_space<vmem>>) offsets(%dma_start3A_11 : memref<26xi32, #tpu.memory_space<vmem>>) semaphore(%dma_start3A_16 : memref<!tpu.dma_semaphore, #tpu.memory_space<semaphore_mem>>)
    %dma_start3A_17 = arith.constant 0 : i32
    %dma_start3A_18 = arith.constant 0 : i32
    %dma_start3A_19 = arith.constant 0 : i32
    %dma_start3A_20 = arith.constant 32 : i32
    %dma_start3A_21 = arith.constant 0 : i32
    %dma_start3A_22 = tpu.memref_slice %arg6[%dma_start3A_18, %dma_start3A_20, %dma_start3A_21] : memref<3x256x128xf32, #tpu.memory_space<vmem>> -> memref<1x26x128xf32, #tpu.memory_space<vmem>>
    %dma_start3A_23 = tpu.memref_squeeze %dma_start3A_22 : memref<1x26x128xf32, #tpu.memory_space<vmem>> -> memref<26x128xf32, #tpu.memory_space<vmem>>
    %dma_start3A_24 = arith.constant 32 : i32
    %dma_start3A_25 = tpu.memref_slice %arg5[%dma_start3A_17, %dma_start3A_24] : memref<128x128xi32, #tpu.memory_space<vmem>> -> memref<1x26xi32, #tpu.memory_space<vmem>>
    %dma_start3A_26 = tpu.memref_squeeze %dma_start3A_25 : memref<1x26xi32, #tpu.memory_space<vmem>> -> memref<26xi32, #tpu.memory_space<vmem>>
    %dma_start3A_27 = arith.constant 0 : i32
    %dma_start3A_28 = arith.constant 0 : i32
    %dma_start3A_29 = tpu.memref_slice %arg2[%dma_start3A_27, %dma_start3A_28] : memref<1000000x128xf32, #tpu.memory_space<hbm>> -> memref<1000000x128xf32, #tpu.memory_space<hbm>>
    %dma_start3A_30 = tpu.memref_slice %arg7[%dma_start3A_19] : memref<3x!tpu.dma_semaphore, #tpu.memory_space<semaphore_mem>> -> memref<1x!tpu.dma_semaphore, #tpu.memory_space<semaphore_mem>>
    %dma_start3A_31 = tpu.memref_squeeze %dma_start3A_30 : memref<1x!tpu.dma_semaphore, #tpu.memory_space<semaphore_mem>> -> memref<!tpu.dma_semaphore, #tpu.memory_space<semaphore_mem>>
    tpu.enqueue_indirect_dma source(%dma_start3A_29 : memref<1000000x128xf32, #tpu.memory_space<hbm>>) target(%dma_start3A_23 : memref<26x128xf32, #tpu.memory_space<vmem>>) offsets(%dma_start3A_26 : memref<26xi32, #tpu.memory_space<vmem>>) semaphore(%dma_start3A_31 : memref<!tpu.dma_semaphore, #tpu.memory_space<semaphore_mem>>)
    %dma_start3A_32 = arith.constant 0 : i32
    %dma_start3A_33 = arith.constant 0 : i32
    %dma_start3A_34 = arith.constant 0 : i32
    %dma_start3A_35 = arith.constant 64 : i32
    %dma_start3A_36 = arith.constant 0 : i32
    %dma_start3A_37 = tpu.memref_slice %arg6[%dma_start3A_33, %dma_start3A_35, %dma_start3A_36] : memref<3x256x128xf32, #tpu.memory_space<vmem>> -> memref<1x26x128xf32, #tpu.memory_space<vmem>>
    %dma_start3A_38 = tpu.memref_squeeze %dma_start3A_37 : memref<1x26x128xf32, #tpu.memory_space<vmem>> -> memref<26x128xf32, #tpu.memory_space<vmem>>
    %dma_start3A_39 = arith.constant 64 : i32
    %dma_start3A_40 = tpu.memref_slice %arg5[%dma_start3A_32, %dma_start3A_39] : memref<128x128xi32, #tpu.memory_space<vmem>> -> memref<1x26xi32, #tpu.memory_space<vmem>>
    %dma_start3A_41 = tpu.memref_squeeze %dma_start3A_40 : memref<1x26xi32, #tpu.memory_space<vmem>> -> memref<26xi32, #tpu.memory_space<vmem>>
    %dma_start3A_42 = arith.constant 0 : i32
    %dma_start3A_43 = arith.constant 0 : i32
    %dma_start3A_44 = tpu.memref_slice %arg2[%dma_start3A_42, %dma_start3A_43] : memref<1000000x128xf32, #tpu.memory_space<hbm>> -> memref<1000000x128xf32, #tpu.memory_space<hbm>>
    %dma_start3A_45 = tpu.memref_slice %arg7[%dma_start3A_34] : memref<3x!tpu.dma_semaphore, #tpu.memory_space<semaphore_mem>> -> memref<1x!tpu.dma_semaphore, #tpu.memory_space<semaphore_mem>>
    %dma_start3A_46 = tpu.memref_squeeze %dma_start3A_45 : memref<1x!tpu.dma_semaphore, #tpu.memory_space<semaphore_mem>> -> memref<!tpu.dma_semaphore, #tpu.memory_space<semaphore_mem>>
    tpu.enqueue_indirect_dma source(%dma_start3A_44 : memref<1000000x128xf32, #tpu.memory_space<hbm>>) target(%dma_start3A_38 : memref<26x128xf32, #tpu.memory_space<vmem>>) offsets(%dma_start3A_41 : memref<26xi32, #tpu.memory_space<vmem>>) semaphore(%dma_start3A_46 : memref<!tpu.dma_semaphore, #tpu.memory_space<semaphore_mem>>)
    %dma_start3A_47 = arith.constant 0 : i32
    %dma_start3A_48 = arith.constant 0 : i32
    %dma_start3A_49 = arith.constant 0 : i32
    %dma_start3A_50 = arith.constant 96 : i32
    %dma_start3A_51 = arith.constant 0 : i32
    %dma_start3A_52 = tpu.memref_slice %arg6[%dma_start3A_48, %dma_start3A_50, %dma_start3A_51] : memref<3x256x128xf32, #tpu.memory_space<vmem>> -> memref<1x26x128xf32, #tpu.memory_space<vmem>>
    %dma_start3A_53 = tpu.memref_squeeze %dma_start3A_52 : memref<1x26x128xf32, #tpu.memory_space<vmem>> -> memref<26x128xf32, #tpu.memory_space<vmem>>
    %dma_start3A_54 = arith.constant 96 : i32
    %dma_start3A_55 = tpu.memref_slice %arg5[%dma_start3A_47, %dma_start3A_54] : memref<128x128xi32, #tpu.memory_space<vmem>> -> memref<1x26xi32, #tpu.memory_space<vmem>>
    %dma_start3A_56 = tpu.memref_squeeze %dma_start3A_55 : memref<1x26xi32, #tpu.memory_space<vmem>> -> memref<26xi32, #tpu.memory_space<vmem>>
    %dma_start3A_57 = arith.constant 0 : i32
    %dma_start3A_58 = arith.constant 0 : i32
    %dma_start3A_59 = tpu.memref_slice %arg2[%dma_start3A_57, %dma_start3A_58] : memref<1000000x128xf32, #tpu.memory_space<hbm>> -> memref<1000000x128xf32, #tpu.memory_space<hbm>>
    %dma_start3A_60 = tpu.memref_slice %arg7[%dma_start3A_49] : memref<3x!tpu.dma_semaphore, #tpu.memory_space<semaphore_mem>> -> memref<1x!tpu.dma_semaphore, #tpu.memory_space<semaphore_mem>>
    %dma_start3A_61 = tpu.memref_squeeze %dma_start3A_60 : memref<1x!tpu.dma_semaphore, #tpu.memory_space<semaphore_mem>> -> memref<!tpu.dma_semaphore, #tpu.memory_space<semaphore_mem>>
    tpu.enqueue_indirect_dma source(%dma_start3A_59 : memref<1000000x128xf32, #tpu.memory_space<hbm>>) target(%dma_start3A_53 : memref<26x128xf32, #tpu.memory_space<vmem>>) offsets(%dma_start3A_56 : memref<26xi32, #tpu.memory_space<vmem>>) semaphore(%dma_start3A_61 : memref<!tpu.dma_semaphore, #tpu.memory_space<semaphore_mem>>)
    %dma_start3A_62 = arith.constant 1 : i32
    %dma_start3A_63 = arith.constant 0 : i32
    %dma_start3A_64 = arith.constant 0 : i32
    %dma_start3A_65 = arith.constant 128 : i32
    %dma_start3A_66 = arith.constant 0 : i32
    %dma_start3A_67 = tpu.memref_slice %arg6[%dma_start3A_63, %dma_start3A_65, %dma_start3A_66] : memref<3x256x128xf32, #tpu.memory_space<vmem>> -> memref<1x26x128xf32, #tpu.memory_space<vmem>>
    %dma_start3A_68 = tpu.memref_squeeze %dma_start3A_67 : memref<1x26x128xf32, #tpu.memory_space<vmem>> -> memref<26x128xf32, #tpu.memory_space<vmem>>
    %dma_start3A_69 = arith.constant 0 : i32
    %dma_start3A_70 = tpu.memref_slice %arg5[%dma_start3A_62, %dma_start3A_69] : memref<128x128xi32, #tpu.memory_space<vmem>> -> memref<1x26xi32, #tpu.memory_space<vmem>>
    %dma_start3A_71 = tpu.memref_squeeze %dma_start3A_70 : memref<1x26xi32, #tpu.memory_space<vmem>> -> memref<26xi32, #tpu.memory_space<vmem>>
    %dma_start3A_72 = arith.constant 0 : i32
    %dma_start3A_73 = arith.constant 0 : i32
    %dma_start3A_74 = tpu.memref_slice %arg2[%dma_start3A_72, %dma_start3A_73] : memref<1000000x128xf32, #tpu.memory_space<hbm>> -> memref<1000000x128xf32, #tpu.memory_space<hbm>>
    %dma_start3A_75 = tpu.memref_slice %arg7[%dma_start3A_64] : memref<3x!tpu.dma_semaphore, #tpu.memory_space<semaphore_mem>> -> memref<1x!tpu.dma_semaphore, #tpu.memory_space<semaphore_mem>>
    %dma_start3A_76 = tpu.memref_squeeze %dma_start3A_75 : memref<1x!tpu.dma_semaphore, #tpu.memory_space<semaphore_mem>> -> memref<!tpu.dma_semaphore, #tpu.memory_space<semaphore_mem>>
    tpu.enqueue_indirect_dma source(%dma_start3A_74 : memref<1000000x128xf32, #tpu.memory_space<hbm>>) target(%dma_start3A_68 : memref<26x128xf32, #tpu.memory_space<vmem>>) offsets(%dma_start3A_71 : memref<26xi32, #tpu.memory_space<vmem>>) semaphore(%dma_start3A_76 : memref<!tpu.dma_semaphore, #tpu.memory_space<semaphore_mem>>)
    %dma_start3A_77 = arith.constant 1 : i32
    %dma_start3A_78 = arith.constant 0 : i32
    %dma_start3A_79 = arith.constant 0 : i32
    %dma_start3A_80 = arith.constant 160 : i32
    %dma_start3A_81 = arith.constant 0 : i32
    %dma_start3A_82 = tpu.memref_slice %arg6[%dma_start3A_78, %dma_start3A_80, %dma_start3A_81] : memref<3x256x128xf32, #tpu.memory_space<vmem>> -> memref<1x26x128xf32, #tpu.memory_space<vmem>>
    %dma_start3A_83 = tpu.memref_squeeze %dma_start3A_82 : memref<1x26x128xf32, #tpu.memory_space<vmem>> -> memref<26x128xf32, #tpu.memory_space<vmem>>
    %dma_start3A_84 = arith.constant 32 : i32
    %dma_start3A_85 = tpu.memref_slice %arg5[%dma_start3A_77, %dma_start3A_84] : memref<128x128xi32, #tpu.memory_space<vmem>> -> memref<1x26xi32, #tpu.memory_space<vmem>>
    %dma_start3A_86 = tpu.memref_squeeze %dma_start3A_85 : memref<1x26xi32, #tpu.memory_space<vmem>> -> memref<26xi32, #tpu.memory_space<vmem>>
    %dma_start3A_87 = arith.constant 0 : i32
    %dma_start3A_88 = arith.constant 0 : i32
    %dma_start3A_89 = tpu.memref_slice %arg2[%dma_start3A_87, %dma_start3A_88] : memref<1000000x128xf32, #tpu.memory_space<hbm>> -> memref<1000000x128xf32, #tpu.memory_space<hbm>>
    %dma_start3A_90 = tpu.memref_slice %arg7[%dma_start3A_79] : memref<3x!tpu.dma_semaphore, #tpu.memory_space<semaphore_mem>> -> memref<1x!tpu.dma_semaphore, #tpu.memory_space<semaphore_mem>>
    %dma_start3A_91 = tpu.memref_squeeze %dma_start3A_90 : memref<1x!tpu.dma_semaphore, #tpu.memory_space<semaphore_mem>> -> memref<!tpu.dma_semaphore, #tpu.memory_space<semaphore_mem>>
    tpu.enqueue_indirect_dma source(%dma_start3A_89 : memref<1000000x128xf32, #tpu.memory_space<hbm>>) target(%dma_start3A_83 : memref<26x128xf32, #tpu.memory_space<vmem>>) offsets(%dma_start3A_86 : memref<26xi32, #tpu.memory_space<vmem>>) semaphore(%dma_start3A_91 : memref<!tpu.dma_semaphore, #tpu.memory_space<semaphore_mem>>)
    %dma_start3A_92 = arith.constant 1 : i32
    %dma_start3A_93 = arith.constant 0 : i32
    %dma_start3A_94 = arith.constant 0 : i32
    %dma_start3A_95 = arith.constant 192 : i32
    %dma_start3A_96 = arith.constant 0 : i32
    %dma_start3A_97 = tpu.memref_slice %arg6[%dma_start3A_93, %dma_start3A_95, %dma_start3A_96] : memref<3x256x128xf32, #tpu.memory_space<vmem>> -> memref<1x26x128xf32, #tpu.memory_space<vmem>>
    %dma_start3A_98 = tpu.memref_squeeze %dma_start3A_97 : memref<1x26x128xf32, #tpu.memory_space<vmem>> -> memref<26x128xf32, #tpu.memory_space<vmem>>
    %dma_start3A_99 = arith.constant 64 : i32
    %dma_start3A_100 = tpu.memref_slice %arg5[%dma_start3A_92, %dma_start3A_99] : memref<128x128xi32, #tpu.memory_space<vmem>> -> memref<1x26xi32, #tpu.memory_space<vmem>>
    %dma_start3A_101 = tpu.memref_squeeze %dma_start3A_100 : memref<1x26xi32, #tpu.memory_space<vmem>> -> memref<26xi32, #tpu.memory_space<vmem>>
    %dma_start3A_102 = arith.constant 0 : i32
    %dma_start3A_103 = arith.constant 0 : i32
    %dma_start3A_104 = tpu.memref_slice %arg2[%dma_start3A_102, %dma_start3A_103] : memref<1000000x128xf32, #tpu.memory_space<hbm>> -> memref<1000000x128xf32, #tpu.memory_space<hbm>>
    %dma_start3A_105 = tpu.memref_slice %arg7[%dma_start3A_94] : memref<3x!tpu.dma_semaphore, #tpu.memory_space<semaphore_mem>> -> memref<1x!tpu.dma_semaphore, #tpu.memory_space<semaphore_mem>>
    %dma_start3A_106 = tpu.memref_squeeze %dma_start3A_105 : memref<1x!tpu.dma_semaphore, #tpu.memory_space<semaphore_mem>> -> memref<!tpu.dma_semaphore, #tpu.memory_space<semaphore_mem>>
    tpu.enqueue_indirect_dma source(%dma_start3A_104 : memref<1000000x128xf32, #tpu.memory_space<hbm>>) target(%dma_start3A_98 : memref<26x128xf32, #tpu.memory_space<vmem>>) offsets(%dma_start3A_101 : memref<26xi32, #tpu.memory_space<vmem>>) semaphore(%dma_start3A_106 : memref<!tpu.dma_semaphore, #tpu.memory_space<semaphore_mem>>)
    %dma_start3A_107 = arith.constant 1 : i32
    %dma_start3A_108 = arith.constant 0 : i32
    %dma_start3A_109 = arith.constant 0 : i32
    %dma_start3A_110 = arith.constant 224 : i32
    %dma_start3A_111 = arith.constant 0 : i32
    %dma_start3A_112 = tpu.memref_slice %arg6[%dma_start3A_108, %dma_start3A_110, %dma_start3A_111] : memref<3x256x128xf32, #tpu.memory_space<vmem>> -> memref<1x26x128xf32, #tpu.memory_space<vmem>>
    %dma_start3A_113 = tpu.memref_squeeze %dma_start3A_112 : memref<1x26x128xf32, #tpu.memory_space<vmem>> -> memref<26x128xf32, #tpu.memory_space<vmem>>
    %dma_start3A_114 = arith.constant 96 : i32
    %dma_start3A_115 = tpu.memref_slice %arg5[%dma_start3A_107, %dma_start3A_114] : memref<128x128xi32, #tpu.memory_space<vmem>> -> memref<1x26xi32, #tpu.memory_space<vmem>>
    %dma_start3A_116 = tpu.memref_squeeze %dma_start3A_115 : memref<1x26xi32, #tpu.memory_space<vmem>> -> memref<26xi32, #tpu.memory_space<vmem>>
    %dma_start3A_117 = arith.constant 0 : i32
    %dma_start3A_118 = arith.constant 0 : i32
    %dma_start3A_119 = tpu.memref_slice %arg2[%dma_start3A_117, %dma_start3A_118] : memref<1000000x128xf32, #tpu.memory_space<hbm>> -> memref<1000000x128xf32, #tpu.memory_space<hbm>>
    %dma_start3A_120 = tpu.memref_slice %arg7[%dma_start3A_109] : memref<3x!tpu.dma_semaphore, #tpu.memory_space<semaphore_mem>> -> memref<1x!tpu.dma_semaphore, #tpu.memory_space<semaphore_mem>>
    %dma_start3A_121 = tpu.memref_squeeze %dma_start3A_120 : memref<1x!tpu.dma_semaphore, #tpu.memory_space<semaphore_mem>> -> memref<!tpu.dma_semaphore, #tpu.memory_space<semaphore_mem>>
    tpu.enqueue_indirect_dma source(%dma_start3A_119 : memref<1000000x128xf32, #tpu.memory_space<hbm>>) target(%dma_start3A_113 : memref<26x128xf32, #tpu.memory_space<vmem>>) offsets(%dma_start3A_116 : memref<26xi32, #tpu.memory_space<vmem>>) semaphore(%dma_start3A_121 : memref<!tpu.dma_semaphore, #tpu.memory_space<semaphore_mem>>)
    %dma_start3A_122 = arith.constant 2 : i32
    %dma_start3A_123 = arith.constant 1 : i32
    %dma_start3A_124 = arith.constant 1 : i32
    %dma_start3A_125 = arith.constant 0 : i32
    %dma_start3A_126 = arith.constant 0 : i32
    %dma_start3A_127 = tpu.memref_slice %arg6[%dma_start3A_123, %dma_start3A_125, %dma_start3A_126] : memref<3x256x128xf32, #tpu.memory_space<vmem>> -> memref<1x26x128xf32, #tpu.memory_space<vmem>>
    %dma_start3A_128 = tpu.memref_squeeze %dma_start3A_127 : memref<1x26x128xf32, #tpu.memory_space<vmem>> -> memref<26x128xf32, #tpu.memory_space<vmem>>
    %dma_start3A_129 = arith.constant 0 : i32
    %dma_start3A_130 = tpu.memref_slice %arg5[%dma_start3A_122, %dma_start3A_129] : memref<128x128xi32, #tpu.memory_space<vmem>> -> memref<1x26xi32, #tpu.memory_space<vmem>>
    %dma_start3A_131 = tpu.memref_squeeze %dma_start3A_130 : memref<1x26xi32, #tpu.memory_space<vmem>> -> memref<26xi32, #tpu.memory_space<vmem>>
    %dma_start3A_132 = arith.constant 0 : i32
    %dma_start3A_133 = arith.constant 0 : i32
    %dma_start3A_134 = tpu.memref_slice %arg2[%dma_start3A_132, %dma_start3A_133] : memref<1000000x128xf32, #tpu.memory_space<hbm>> -> memref<1000000x128xf32, #tpu.memory_space<hbm>>
    %dma_start3A_135 = tpu.memref_slice %arg7[%dma_start3A_124] : memref<3x!tpu.dma_semaphore, #tpu.memory_space<semaphore_mem>> -> memref<1x!tpu.dma_semaphore, #tpu.memory_space<semaphore_mem>>
    %dma_start3A_136 = tpu.memref_squeeze %dma_start3A_135 : memref<1x!tpu.dma_semaphore, #tpu.memory_space<semaphore_mem>> -> memref<!tpu.dma_semaphore, #tpu.memory_space<semaphore_mem>>
    tpu.enqueue_indirect_dma source(%dma_start3A_134 : memref<1000000x128xf32, #tpu.memory_space<hbm>>) target(%dma_start3A_128 : memref<26x128xf32, #tpu.memory_space<vmem>>) offsets(%dma_start3A_131 : memref<26xi32, #tpu.memory_space<vmem>>) semaphore(%dma_start3A_136 : memref<!tpu.dma_semaphore, #tpu.memory_space<semaphore_mem>>)
    %dma_start3A_137 = arith.constant 2 : i32
    %dma_start3A_138 = arith.constant 1 : i32
    %dma_start3A_139 = arith.constant 1 : i32
    %dma_start3A_140 = arith.constant 32 : i32
    %dma_start3A_141 = arith.constant 0 : i32
    %dma_start3A_142 = tpu.memref_slice %arg6[%dma_start3A_138, %dma_start3A_140, %dma_start3A_141] : memref<3x256x128xf32, #tpu.memory_space<vmem>> -> memref<1x26x128xf32, #tpu.memory_space<vmem>>
    %dma_start3A_143 = tpu.memref_squeeze %dma_start3A_142 : memref<1x26x128xf32, #tpu.memory_space<vmem>> -> memref<26x128xf32, #tpu.memory_space<vmem>>
    %dma_start3A_144 = arith.constant 32 : i32
    %dma_start3A_145 = tpu.memref_slice %arg5[%dma_start3A_137, %dma_start3A_144] : memref<128x128xi32, #tpu.memory_space<vmem>> -> memref<1x26xi32, #tpu.memory_space<vmem>>
    %dma_start3A_146 = tpu.memref_squeeze %dma_start3A_145 : memref<1x26xi32, #tpu.memory_space<vmem>> -> memref<26xi32, #tpu.memory_space<vmem>>
    %dma_start3A_147 = arith.constant 0 : i32
    %dma_start3A_148 = arith.constant 0 : i32
    %dma_start3A_149 = tpu.memref_slice %arg2[%dma_start3A_147, %dma_start3A_148] : memref<1000000x128xf32, #tpu.memory_space<hbm>> -> memref<1000000x128xf32, #tpu.memory_space<hbm>>
    %dma_start3A_150 = tpu.memref_slice %arg7[%dma_start3A_139] : memref<3x!tpu.dma_semaphore, #tpu.memory_space<semaphore_mem>> -> memref<1x!tpu.dma_semaphore, #tpu.memory_space<semaphore_mem>>
    %dma_start3A_151 = tpu.memref_squeeze %dma_start3A_150 : memref<1x!tpu.dma_semaphore, #tpu.memory_space<semaphore_mem>> -> memref<!tpu.dma_semaphore, #tpu.memory_space<semaphore_mem>>
    tpu.enqueue_indirect_dma source(%dma_start3A_149 : memref<1000000x128xf32, #tpu.memory_space<hbm>>) target(%dma_start3A_143 : memref<26x128xf32, #tpu.memory_space<vmem>>) offsets(%dma_start3A_146 : memref<26xi32, #tpu.memory_space<vmem>>) semaphore(%dma_start3A_151 : memref<!tpu.dma_semaphore, #tpu.memory_space<semaphore_mem>>)
    %dma_start3A_152 = arith.constant 2 : i32
    %dma_start3A_153 = arith.constant 1 : i32
    %dma_start3A_154 = arith.constant 1 : i32
    %dma_start3A_155 = arith.constant 64 : i32
    %dma_start3A_156 = arith.constant 0 : i32
    %dma_start3A_157 = tpu.memref_slice %arg6[%dma_start3A_153, %dma_start3A_155, %dma_start3A_156] : memref<3x256x128xf32, #tpu.memory_space<vmem>> -> memref<1x26x128xf32, #tpu.memory_space<vmem>>
    %dma_start3A_158 = tpu.memref_squeeze %dma_start3A_157 : memref<1x26x128xf32, #tpu.memory_space<vmem>> -> memref<26x128xf32, #tpu.memory_space<vmem>>
    %dma_start3A_159 = arith.constant 64 : i32
    %dma_start3A_160 = tpu.memref_slice %arg5[%dma_start3A_152, %dma_start3A_159] : memref<128x128xi32, #tpu.memory_space<vmem>> -> memref<1x26xi32, #tpu.memory_space<vmem>>
    %dma_start3A_161 = tpu.memref_squeeze %dma_start3A_160 : memref<1x26xi32, #tpu.memory_space<vmem>> -> memref<26xi32, #tpu.memory_space<vmem>>
    %dma_start3A_162 = arith.constant 0 : i32
    %dma_start3A_163 = arith.constant 0 : i32
    %dma_start3A_164 = tpu.memref_slice %arg2[%dma_start3A_162, %dma_start3A_163] : memref<1000000x128xf32, #tpu.memory_space<hbm>> -> memref<1000000x128xf32, #tpu.memory_space<hbm>>
    %dma_start3A_165 = tpu.memref_slice %arg7[%dma_start3A_154] : memref<3x!tpu.dma_semaphore, #tpu.memory_space<semaphore_mem>> -> memref<1x!tpu.dma_semaphore, #tpu.memory_space<semaphore_mem>>
    %dma_start3A_166 = tpu.memref_squeeze %dma_start3A_165 : memref<1x!tpu.dma_semaphore, #tpu.memory_space<semaphore_mem>> -> memref<!tpu.dma_semaphore, #tpu.memory_space<semaphore_mem>>
    tpu.enqueue_indirect_dma source(%dma_start3A_164 : memref<1000000x128xf32, #tpu.memory_space<hbm>>) target(%dma_start3A_158 : memref<26x128xf32, #tpu.memory_space<vmem>>) offsets(%dma_start3A_161 : memref<26xi32, #tpu.memory_space<vmem>>) semaphore(%dma_start3A_166 : memref<!tpu.dma_semaphore, #tpu.memory_space<semaphore_mem>>)
    %dma_start3A_167 = arith.constant 2 : i32
    %dma_start3A_168 = arith.constant 1 : i32
    %dma_start3A_169 = arith.constant 1 : i32
    %dma_start3A_170 = arith.constant 96 : i32
    %dma_start3A_171 = arith.constant 0 : i32
    %dma_start3A_172 = tpu.memref_slice %arg6[%dma_start3A_168, %dma_start3A_170, %dma_start3A_171] : memref<3x256x128xf32, #tpu.memory_space<vmem>> -> memref<1x26x128xf32, #tpu.memory_space<vmem>>
    %dma_start3A_173 = tpu.memref_squeeze %dma_start3A_172 : memref<1x26x128xf32, #tpu.memory_space<vmem>> -> memref<26x128xf32, #tpu.memory_space<vmem>>
    %dma_start3A_174 = arith.constant 96 : i32
    %dma_start3A_175 = tpu.memref_slice %arg5[%dma_start3A_167, %dma_start3A_174] : memref<128x128xi32, #tpu.memory_space<vmem>> -> memref<1x26xi32, #tpu.memory_space<vmem>>
    %dma_start3A_176 = tpu.memref_squeeze %dma_start3A_175 : memref<1x26xi32, #tpu.memory_space<vmem>> -> memref<26xi32, #tpu.memory_space<vmem>>
    %dma_start3A_177 = arith.constant 0 : i32
    %dma_start3A_178 = arith.constant 0 : i32
    %dma_start3A_179 = tpu.memref_slice %arg2[%dma_start3A_177, %dma_start3A_178] : memref<1000000x128xf32, #tpu.memory_space<hbm>> -> memref<1000000x128xf32, #tpu.memory_space<hbm>>
    %dma_start3A_180 = tpu.memref_slice %arg7[%dma_start3A_169] : memref<3x!tpu.dma_semaphore, #tpu.memory_space<semaphore_mem>> -> memref<1x!tpu.dma_semaphore, #tpu.memory_space<semaphore_mem>>
    %dma_start3A_181 = tpu.memref_squeeze %dma_start3A_180 : memref<1x!tpu.dma_semaphore, #tpu.memory_space<semaphore_mem>> -> memref<!tpu.dma_semaphore, #tpu.memory_space<semaphore_mem>>
    tpu.enqueue_indirect_dma source(%dma_start3A_179 : memref<1000000x128xf32, #tpu.memory_space<hbm>>) target(%dma_start3A_173 : memref<26x128xf32, #tpu.memory_space<vmem>>) offsets(%dma_start3A_176 : memref<26xi32, #tpu.memory_space<vmem>>) semaphore(%dma_start3A_181 : memref<!tpu.dma_semaphore, #tpu.memory_space<semaphore_mem>>)
    %dma_start3A_182 = arith.constant 3 : i32
    %dma_start3A_183 = arith.constant 1 : i32
    %dma_start3A_184 = arith.constant 1 : i32
    %dma_start3A_185 = arith.constant 128 : i32
    %dma_start3A_186 = arith.constant 0 : i32
    %dma_start3A_187 = tpu.memref_slice %arg6[%dma_start3A_183, %dma_start3A_185, %dma_start3A_186] : memref<3x256x128xf32, #tpu.memory_space<vmem>> -> memref<1x26x128xf32, #tpu.memory_space<vmem>>
    %dma_start3A_188 = tpu.memref_squeeze %dma_start3A_187 : memref<1x26x128xf32, #tpu.memory_space<vmem>> -> memref<26x128xf32, #tpu.memory_space<vmem>>
    %dma_start3A_189 = arith.constant 0 : i32
    %dma_start3A_190 = tpu.memref_slice %arg5[%dma_start3A_182, %dma_start3A_189] : memref<128x128xi32, #tpu.memory_space<vmem>> -> memref<1x26xi32, #tpu.memory_space<vmem>>
    %dma_start3A_191 = tpu.memref_squeeze %dma_start3A_190 : memref<1x26xi32, #tpu.memory_space<vmem>> -> memref<26xi32, #tpu.memory_space<vmem>>
    %dma_start3A_192 = arith.constant 0 : i32
    %dma_start3A_193 = arith.constant 0 : i32
    %dma_start3A_194 = tpu.memref_slice %arg2[%dma_start3A_192, %dma_start3A_193] : memref<1000000x128xf32, #tpu.memory_space<hbm>> -> memref<1000000x128xf32, #tpu.memory_space<hbm>>
    %dma_start3A_195 = tpu.memref_slice %arg7[%dma_start3A_184] : memref<3x!tpu.dma_semaphore, #tpu.memory_space<semaphore_mem>> -> memref<1x!tpu.dma_semaphore, #tpu.memory_space<semaphore_mem>>
    %dma_start3A_196 = tpu.memref_squeeze %dma_start3A_195 : memref<1x!tpu.dma_semaphore, #tpu.memory_space<semaphore_mem>> -> memref<!tpu.dma_semaphore, #tpu.memory_space<semaphore_mem>>
    tpu.enqueue_indirect_dma source(%dma_start3A_194 : memref<1000000x128xf32, #tpu.memory_space<hbm>>) target(%dma_start3A_188 : memref<26x128xf32, #tpu.memory_space<vmem>>) offsets(%dma_start3A_191 : memref<26xi32, #tpu.memory_space<vmem>>) semaphore(%dma_start3A_196 : memref<!tpu.dma_semaphore, #tpu.memory_space<semaphore_mem>>)
    %dma_start3A_197 = arith.constant 3 : i32
    %dma_start3A_198 = arith.constant 1 : i32
    %dma_start3A_199 = arith.constant 1 : i32
    %dma_start3A_200 = arith.constant 160 : i32
    %dma_start3A_201 = arith.constant 0 : i32
    %dma_start3A_202 = tpu.memref_slice %arg6[%dma_start3A_198, %dma_start3A_200, %dma_start3A_201] : memref<3x256x128xf32, #tpu.memory_space<vmem>> -> memref<1x26x128xf32, #tpu.memory_space<vmem>>
    %dma_start3A_203 = tpu.memref_squeeze %dma_start3A_202 : memref<1x26x128xf32, #tpu.memory_space<vmem>> -> memref<26x128xf32, #tpu.memory_space<vmem>>
    %dma_start3A_204 = arith.constant 32 : i32
    %dma_start3A_205 = tpu.memref_slice %arg5[%dma_start3A_197, %dma_start3A_204] : memref<128x128xi32, #tpu.memory_space<vmem>> -> memref<1x26xi32, #tpu.memory_space<vmem>>
    %dma_start3A_206 = tpu.memref_squeeze %dma_start3A_205 : memref<1x26xi32, #tpu.memory_space<vmem>> -> memref<26xi32, #tpu.memory_space<vmem>>
    %dma_start3A_207 = arith.constant 0 : i32
    %dma_start3A_208 = arith.constant 0 : i32
    %dma_start3A_209 = tpu.memref_slice %arg2[%dma_start3A_207, %dma_start3A_208] : memref<1000000x128xf32, #tpu.memory_space<hbm>> -> memref<1000000x128xf32, #tpu.memory_space<hbm>>
    %dma_start3A_210 = tpu.memref_slice %arg7[%dma_start3A_199] : memref<3x!tpu.dma_semaphore, #tpu.memory_space<semaphore_mem>> -> memref<1x!tpu.dma_semaphore, #tpu.memory_space<semaphore_mem>>
    %dma_start3A_211 = tpu.memref_squeeze %dma_start3A_210 : memref<1x!tpu.dma_semaphore, #tpu.memory_space<semaphore_mem>> -> memref<!tpu.dma_semaphore, #tpu.memory_space<semaphore_mem>>
    tpu.enqueue_indirect_dma source(%dma_start3A_209 : memref<1000000x128xf32, #tpu.memory_space<hbm>>) target(%dma_start3A_203 : memref<26x128xf32, #tpu.memory_space<vmem>>) offsets(%dma_start3A_206 : memref<26xi32, #tpu.memory_space<vmem>>) semaphore(%dma_start3A_211 : memref<!tpu.dma_semaphore, #tpu.memory_space<semaphore_mem>>)
    %dma_start3A_212 = arith.constant 3 : i32
    %dma_start3A_213 = arith.constant 1 : i32
    %dma_start3A_214 = arith.constant 1 : i32
    %dma_start3A_215 = arith.constant 192 : i32
    %dma_start3A_216 = arith.constant 0 : i32
    %dma_start3A_217 = tpu.memref_slice %arg6[%dma_start3A_213, %dma_start3A_215, %dma_start3A_216] : memref<3x256x128xf32, #tpu.memory_space<vmem>> -> memref<1x26x128xf32, #tpu.memory_space<vmem>>
    %dma_start3A_218 = tpu.memref_squeeze %dma_start3A_217 : memref<1x26x128xf32, #tpu.memory_space<vmem>> -> memref<26x128xf32, #tpu.memory_space<vmem>>
    %dma_start3A_219 = arith.constant 64 : i32
    %dma_start3A_220 = tpu.memref_slice %arg5[%dma_start3A_212, %dma_start3A_219] : memref<128x128xi32, #tpu.memory_space<vmem>> -> memref<1x26xi32, #tpu.memory_space<vmem>>
    %dma_start3A_221 = tpu.memref_squeeze %dma_start3A_220 : memref<1x26xi32, #tpu.memory_space<vmem>> -> memref<26xi32, #tpu.memory_space<vmem>>
    %dma_start3A_222 = arith.constant 0 : i32
    %dma_start3A_223 = arith.constant 0 : i32
    %dma_start3A_224 = tpu.memref_slice %arg2[%dma_start3A_222, %dma_start3A_223] : memref<1000000x128xf32, #tpu.memory_space<hbm>> -> memref<1000000x128xf32, #tpu.memory_space<hbm>>
    %dma_start3A_225 = tpu.memref_slice %arg7[%dma_start3A_214] : memref<3x!tpu.dma_semaphore, #tpu.memory_space<semaphore_mem>> -> memref<1x!tpu.dma_semaphore, #tpu.memory_space<semaphore_mem>>
    %dma_start3A_226 = tpu.memref_squeeze %dma_start3A_225 : memref<1x!tpu.dma_semaphore, #tpu.memory_space<semaphore_mem>> -> memref<!tpu.dma_semaphore, #tpu.memory_space<semaphore_mem>>
    tpu.enqueue_indirect_dma source(%dma_start3A_224 : memref<1000000x128xf32, #tpu.memory_space<hbm>>) target(%dma_start3A_218 : memref<26x128xf32, #tpu.memory_space<vmem>>) offsets(%dma_start3A_221 : memref<26xi32, #tpu.memory_space<vmem>>) semaphore(%dma_start3A_226 : memref<!tpu.dma_semaphore, #tpu.memory_space<semaphore_mem>>)
    %dma_start3A_227 = arith.constant 3 : i32
    %dma_start3A_228 = arith.constant 1 : i32
    %dma_start3A_229 = arith.constant 1 : i32
    %dma_start3A_230 = arith.constant 224 : i32
    %dma_start3A_231 = arith.constant 0 : i32
    %dma_start3A_232 = tpu.memref_slice %arg6[%dma_start3A_228, %dma_start3A_230, %dma_start3A_231] : memref<3x256x128xf32, #tpu.memory_space<vmem>> -> memref<1x26x128xf32, #tpu.memory_space<vmem>>
    %dma_start3A_233 = tpu.memref_squeeze %dma_start3A_232 : memref<1x26x128xf32, #tpu.memory_space<vmem>> -> memref<26x128xf32, #tpu.memory_space<vmem>>
    %dma_start3A_234 = arith.constant 96 : i32
    %dma_start3A_235 = tpu.memref_slice %arg5[%dma_start3A_227, %dma_start3A_234] : memref<128x128xi32, #tpu.memory_space<vmem>> -> memref<1x26xi32, #tpu.memory_space<vmem>>
    %dma_start3A_236 = tpu.memref_squeeze %dma_start3A_235 : memref<1x26xi32, #tpu.memory_space<vmem>> -> memref<26xi32, #tpu.memory_space<vmem>>
    %dma_start3A_237 = arith.constant 0 : i32
    %dma_start3A_238 = arith.constant 0 : i32
    %dma_start3A_239 = tpu.memref_slice %arg2[%dma_start3A_237, %dma_start3A_238] : memref<1000000x128xf32, #tpu.memory_space<hbm>> -> memref<1000000x128xf32, #tpu.memory_space<hbm>>
    %dma_start3A_240 = tpu.memref_slice %arg7[%dma_start3A_229] : memref<3x!tpu.dma_semaphore, #tpu.memory_space<semaphore_mem>> -> memref<1x!tpu.dma_semaphore, #tpu.memory_space<semaphore_mem>>
    %dma_start3A_241 = tpu.memref_squeeze %dma_start3A_240 : memref<1x!tpu.dma_semaphore, #tpu.memory_space<semaphore_mem>> -> memref<!tpu.dma_semaphore, #tpu.memory_space<semaphore_mem>>
    tpu.enqueue_indirect_dma source(%dma_start3A_239 : memref<1000000x128xf32, #tpu.memory_space<hbm>>) target(%dma_start3A_233 : memref<26x128xf32, #tpu.memory_space<vmem>>) offsets(%dma_start3A_236 : memref<26xi32, #tpu.memory_space<vmem>>) semaphore(%dma_start3A_241 : memref<!tpu.dma_semaphore, #tpu.memory_space<semaphore_mem>>)
    %dma_start3A_242 = arith.constant 4 : i32
    %dma_start3A_243 = arith.constant 2 : i32
    %dma_start3A_244 = arith.constant 2 : i32
    %dma_start3A_245 = arith.constant 0 : i32
    %dma_start3A_246 = arith.constant 0 : i32
    %dma_start3A_247 = tpu.memref_slice %arg6[%dma_start3A_243, %dma_start3A_245, %dma_start3A_246] : memref<3x256x128xf32, #tpu.memory_space<vmem>> -> memref<1x26x128xf32, #tpu.memory_space<vmem>>
    %dma_start3A_248 = tpu.memref_squeeze %dma_start3A_247 : memref<1x26x128xf32, #tpu.memory_space<vmem>> -> memref<26x128xf32, #tpu.memory_space<vmem>>
    %dma_start3A_249 = arith.constant 0 : i32
    %dma_start3A_250 = tpu.memref_slice %arg5[%dma_start3A_242, %dma_start3A_249] : memref<128x128xi32, #tpu.memory_space<vmem>> -> memref<1x26xi32, #tpu.memory_space<vmem>>
    %dma_start3A_251 = tpu.memref_squeeze %dma_start3A_250 : memref<1x26xi32, #tpu.memory_space<vmem>> -> memref<26xi32, #tpu.memory_space<vmem>>
    %dma_start3A_252 = arith.constant 0 : i32
    %dma_start3A_253 = arith.constant 0 : i32
    %dma_start3A_254 = tpu.memref_slice %arg2[%dma_start3A_252, %dma_start3A_253] : memref<1000000x128xf32, #tpu.memory_space<hbm>> -> memref<1000000x128xf32, #tpu.memory_space<hbm>>
    %dma_start3A_255 = tpu.memref_slice %arg7[%dma_start3A_244] : memref<3x!tpu.dma_semaphore, #tpu.memory_space<semaphore_mem>> -> memref<1x!tpu.dma_semaphore, #tpu.memory_space<semaphore_mem>>
    %dma_start3A_256 = tpu.memref_squeeze %dma_start3A_255 : memref<1x!tpu.dma_semaphore, #tpu.memory_space<semaphore_mem>> -> memref<!tpu.dma_semaphore, #tpu.memory_space<semaphore_mem>>
    tpu.enqueue_indirect_dma source(%dma_start3A_254 : memref<1000000x128xf32, #tpu.memory_space<hbm>>) target(%dma_start3A_248 : memref<26x128xf32, #tpu.memory_space<vmem>>) offsets(%dma_start3A_251 : memref<26xi32, #tpu.memory_space<vmem>>) semaphore(%dma_start3A_256 : memref<!tpu.dma_semaphore, #tpu.memory_space<semaphore_mem>>)
    %dma_start3A_257 = arith.constant 4 : i32
    %dma_start3A_258 = arith.constant 2 : i32
    %dma_start3A_259 = arith.constant 2 : i32
    %dma_start3A_260 = arith.constant 32 : i32
    %dma_start3A_261 = arith.constant 0 : i32
    %dma_start3A_262 = tpu.memref_slice %arg6[%dma_start3A_258, %dma_start3A_260, %dma_start3A_261] : memref<3x256x128xf32, #tpu.memory_space<vmem>> -> memref<1x26x128xf32, #tpu.memory_space<vmem>>
    %dma_start3A_263 = tpu.memref_squeeze %dma_start3A_262 : memref<1x26x128xf32, #tpu.memory_space<vmem>> -> memref<26x128xf32, #tpu.memory_space<vmem>>
    %dma_start3A_264 = arith.constant 32 : i32
    %dma_start3A_265 = tpu.memref_slice %arg5[%dma_start3A_257, %dma_start3A_264] : memref<128x128xi32, #tpu.memory_space<vmem>> -> memref<1x26xi32, #tpu.memory_space<vmem>>
    %dma_start3A_266 = tpu.memref_squeeze %dma_start3A_265 : memref<1x26xi32, #tpu.memory_space<vmem>> -> memref<26xi32, #tpu.memory_space<vmem>>
    %dma_start3A_267 = arith.constant 0 : i32
    %dma_start3A_268 = arith.constant 0 : i32
    %dma_start3A_269 = tpu.memref_slice %arg2[%dma_start3A_267, %dma_start3A_268] : memref<1000000x128xf32, #tpu.memory_space<hbm>> -> memref<1000000x128xf32, #tpu.memory_space<hbm>>
    %dma_start3A_270 = tpu.memref_slice %arg7[%dma_start3A_259] : memref<3x!tpu.dma_semaphore, #tpu.memory_space<semaphore_mem>> -> memref<1x!tpu.dma_semaphore, #tpu.memory_space<semaphore_mem>>
    %dma_start3A_271 = tpu.memref_squeeze %dma_start3A_270 : memref<1x!tpu.dma_semaphore, #tpu.memory_space<semaphore_mem>> -> memref<!tpu.dma_semaphore, #tpu.memory_space<semaphore_mem>>
    tpu.enqueue_indirect_dma source(%dma_start3A_269 : memref<1000000x128xf32, #tpu.memory_space<hbm>>) target(%dma_start3A_263 : memref<26x128xf32, #tpu.memory_space<vmem>>) offsets(%dma_start3A_266 : memref<26xi32, #tpu.memory_space<vmem>>) semaphore(%dma_start3A_271 : memref<!tpu.dma_semaphore, #tpu.memory_space<semaphore_mem>>)
    %dma_start3A_272 = arith.constant 4 : i32
    %dma_start3A_273 = arith.constant 2 : i32
    %dma_start3A_274 = arith.constant 2 : i32
    %dma_start3A_275 = arith.constant 64 : i32
    %dma_start3A_276 = arith.constant 0 : i32
    %dma_start3A_277 = tpu.memref_slice %arg6[%dma_start3A_273, %dma_start3A_275, %dma_start3A_276] : memref<3x256x128xf32, #tpu.memory_space<vmem>> -> memref<1x26x128xf32, #tpu.memory_space<vmem>>
    %dma_start3A_278 = tpu.memref_squeeze %dma_start3A_277 : memref<1x26x128xf32, #tpu.memory_space<vmem>> -> memref<26x128xf32, #tpu.memory_space<vmem>>
    %dma_start3A_279 = arith.constant 64 : i32
    %dma_start3A_280 = tpu.memref_slice %arg5[%dma_start3A_272, %dma_start3A_279] : memref<128x128xi32, #tpu.memory_space<vmem>> -> memref<1x26xi32, #tpu.memory_space<vmem>>
    %dma_start3A_281 = tpu.memref_squeeze %dma_start3A_280 : memref<1x26xi32, #tpu.memory_space<vmem>> -> memref<26xi32, #tpu.memory_space<vmem>>
    %dma_start3A_282 = arith.constant 0 : i32
    %dma_start3A_283 = arith.constant 0 : i32
    %dma_start3A_284 = tpu.memref_slice %arg2[%dma_start3A_282, %dma_start3A_283] : memref<1000000x128xf32, #tpu.memory_space<hbm>> -> memref<1000000x128xf32, #tpu.memory_space<hbm>>
    %dma_start3A_285 = tpu.memref_slice %arg7[%dma_start3A_274] : memref<3x!tpu.dma_semaphore, #tpu.memory_space<semaphore_mem>> -> memref<1x!tpu.dma_semaphore, #tpu.memory_space<semaphore_mem>>
    %dma_start3A_286 = tpu.memref_squeeze %dma_start3A_285 : memref<1x!tpu.dma_semaphore, #tpu.memory_space<semaphore_mem>> -> memref<!tpu.dma_semaphore, #tpu.memory_space<semaphore_mem>>
    tpu.enqueue_indirect_dma source(%dma_start3A_284 : memref<1000000x128xf32, #tpu.memory_space<hbm>>) target(%dma_start3A_278 : memref<26x128xf32, #tpu.memory_space<vmem>>) offsets(%dma_start3A_281 : memref<26xi32, #tpu.memory_space<vmem>>) semaphore(%dma_start3A_286 : memref<!tpu.dma_semaphore, #tpu.memory_space<semaphore_mem>>)
    %dma_start3A_287 = arith.constant 4 : i32
    %dma_start3A_288 = arith.constant 2 : i32
    %dma_start3A_289 = arith.constant 2 : i32
    %dma_start3A_290 = arith.constant 96 : i32
    %dma_start3A_291 = arith.constant 0 : i32
    %dma_start3A_292 = tpu.memref_slice %arg6[%dma_start3A_288, %dma_start3A_290, %dma_start3A_291] : memref<3x256x128xf32, #tpu.memory_space<vmem>> -> memref<1x26x128xf32, #tpu.memory_space<vmem>>
    %dma_start3A_293 = tpu.memref_squeeze %dma_start3A_292 : memref<1x26x128xf32, #tpu.memory_space<vmem>> -> memref<26x128xf32, #tpu.memory_space<vmem>>
    %dma_start3A_294 = arith.constant 96 : i32
    %dma_start3A_295 = tpu.memref_slice %arg5[%dma_start3A_287, %dma_start3A_294] : memref<128x128xi32, #tpu.memory_space<vmem>> -> memref<1x26xi32, #tpu.memory_space<vmem>>
    %dma_start3A_296 = tpu.memref_squeeze %dma_start3A_295 : memref<1x26xi32, #tpu.memory_space<vmem>> -> memref<26xi32, #tpu.memory_space<vmem>>
    %dma_start3A_297 = arith.constant 0 : i32
    %dma_start3A_298 = arith.constant 0 : i32
    %dma_start3A_299 = tpu.memref_slice %arg2[%dma_start3A_297, %dma_start3A_298] : memref<1000000x128xf32, #tpu.memory_space<hbm>> -> memref<1000000x128xf32, #tpu.memory_space<hbm>>
    %dma_start3A_300 = tpu.memref_slice %arg7[%dma_start3A_289] : memref<3x!tpu.dma_semaphore, #tpu.memory_space<semaphore_mem>> -> memref<1x!tpu.dma_semaphore, #tpu.memory_space<semaphore_mem>>
    %dma_start3A_301 = tpu.memref_squeeze %dma_start3A_300 : memref<1x!tpu.dma_semaphore, #tpu.memory_space<semaphore_mem>> -> memref<!tpu.dma_semaphore, #tpu.memory_space<semaphore_mem>>
    tpu.enqueue_indirect_dma source(%dma_start3A_299 : memref<1000000x128xf32, #tpu.memory_space<hbm>>) target(%dma_start3A_293 : memref<26x128xf32, #tpu.memory_space<vmem>>) offsets(%dma_start3A_296 : memref<26xi32, #tpu.memory_space<vmem>>) semaphore(%dma_start3A_301 : memref<!tpu.dma_semaphore, #tpu.memory_space<semaphore_mem>>)
    %dma_start3A_302 = arith.constant 5 : i32
    %dma_start3A_303 = arith.constant 2 : i32
    %dma_start3A_304 = arith.constant 2 : i32
    %dma_start3A_305 = arith.constant 128 : i32
    %dma_start3A_306 = arith.constant 0 : i32
    %dma_start3A_307 = tpu.memref_slice %arg6[%dma_start3A_303, %dma_start3A_305, %dma_start3A_306] : memref<3x256x128xf32, #tpu.memory_space<vmem>> -> memref<1x26x128xf32, #tpu.memory_space<vmem>>
    %dma_start3A_308 = tpu.memref_squeeze %dma_start3A_307 : memref<1x26x128xf32, #tpu.memory_space<vmem>> -> memref<26x128xf32, #tpu.memory_space<vmem>>
    %dma_start3A_309 = arith.constant 0 : i32
    %dma_start3A_310 = tpu.memref_slice %arg5[%dma_start3A_302, %dma_start3A_309] : memref<128x128xi32, #tpu.memory_space<vmem>> -> memref<1x26xi32, #tpu.memory_space<vmem>>
    %dma_start3A_311 = tpu.memref_squeeze %dma_start3A_310 : memref<1x26xi32, #tpu.memory_space<vmem>> -> memref<26xi32, #tpu.memory_space<vmem>>
    %dma_start3A_312 = arith.constant 0 : i32
    %dma_start3A_313 = arith.constant 0 : i32
    %dma_start3A_314 = tpu.memref_slice %arg2[%dma_start3A_312, %dma_start3A_313] : memref<1000000x128xf32, #tpu.memory_space<hbm>> -> memref<1000000x128xf32, #tpu.memory_space<hbm>>
    %dma_start3A_315 = tpu.memref_slice %arg7[%dma_start3A_304] : memref<3x!tpu.dma_semaphore, #tpu.memory_space<semaphore_mem>> -> memref<1x!tpu.dma_semaphore, #tpu.memory_space<semaphore_mem>>
    %dma_start3A_316 = tpu.memref_squeeze %dma_start3A_315 : memref<1x!tpu.dma_semaphore, #tpu.memory_space<semaphore_mem>> -> memref<!tpu.dma_semaphore, #tpu.memory_space<semaphore_mem>>
    tpu.enqueue_indirect_dma source(%dma_start3A_314 : memref<1000000x128xf32, #tpu.memory_space<hbm>>) target(%dma_start3A_308 : memref<26x128xf32, #tpu.memory_space<vmem>>) offsets(%dma_start3A_311 : memref<26xi32, #tpu.memory_space<vmem>>) semaphore(%dma_start3A_316 : memref<!tpu.dma_semaphore, #tpu.memory_space<semaphore_mem>>)
    %dma_start3A_317 = arith.constant 5 : i32
    %dma_start3A_318 = arith.constant 2 : i32
    %dma_start3A_319 = arith.constant 2 : i32
    %dma_start3A_320 = arith.constant 160 : i32
    %dma_start3A_321 = arith.constant 0 : i32
    %dma_start3A_322 = tpu.memref_slice %arg6[%dma_start3A_318, %dma_start3A_320, %dma_start3A_321] : memref<3x256x128xf32, #tpu.memory_space<vmem>> -> memref<1x26x128xf32, #tpu.memory_space<vmem>>
    %dma_start3A_323 = tpu.memref_squeeze %dma_start3A_322 : memref<1x26x128xf32, #tpu.memory_space<vmem>> -> memref<26x128xf32, #tpu.memory_space<vmem>>
    %dma_start3A_324 = arith.constant 32 : i32
    %dma_start3A_325 = tpu.memref_slice %arg5[%dma_start3A_317, %dma_start3A_324] : memref<128x128xi32, #tpu.memory_space<vmem>> -> memref<1x26xi32, #tpu.memory_space<vmem>>
    %dma_start3A_326 = tpu.memref_squeeze %dma_start3A_325 : memref<1x26xi32, #tpu.memory_space<vmem>> -> memref<26xi32, #tpu.memory_space<vmem>>
    %dma_start3A_327 = arith.constant 0 : i32
    %dma_start3A_328 = arith.constant 0 : i32
    %dma_start3A_329 = tpu.memref_slice %arg2[%dma_start3A_327, %dma_start3A_328] : memref<1000000x128xf32, #tpu.memory_space<hbm>> -> memref<1000000x128xf32, #tpu.memory_space<hbm>>
    %dma_start3A_330 = tpu.memref_slice %arg7[%dma_start3A_319] : memref<3x!tpu.dma_semaphore, #tpu.memory_space<semaphore_mem>> -> memref<1x!tpu.dma_semaphore, #tpu.memory_space<semaphore_mem>>
    %dma_start3A_331 = tpu.memref_squeeze %dma_start3A_330 : memref<1x!tpu.dma_semaphore, #tpu.memory_space<semaphore_mem>> -> memref<!tpu.dma_semaphore, #tpu.memory_space<semaphore_mem>>
    tpu.enqueue_indirect_dma source(%dma_start3A_329 : memref<1000000x128xf32, #tpu.memory_space<hbm>>) target(%dma_start3A_323 : memref<26x128xf32, #tpu.memory_space<vmem>>) offsets(%dma_start3A_326 : memref<26xi32, #tpu.memory_space<vmem>>) semaphore(%dma_start3A_331 : memref<!tpu.dma_semaphore, #tpu.memory_space<semaphore_mem>>)
    %dma_start3A_332 = arith.constant 5 : i32
    %dma_start3A_333 = arith.constant 2 : i32
    %dma_start3A_334 = arith.constant 2 : i32
    %dma_start3A_335 = arith.constant 192 : i32
    %dma_start3A_336 = arith.constant 0 : i32
    %dma_start3A_337 = tpu.memref_slice %arg6[%dma_start3A_333, %dma_start3A_335, %dma_start3A_336] : memref<3x256x128xf32, #tpu.memory_space<vmem>> -> memref<1x26x128xf32, #tpu.memory_space<vmem>>
    %dma_start3A_338 = tpu.memref_squeeze %dma_start3A_337 : memref<1x26x128xf32, #tpu.memory_space<vmem>> -> memref<26x128xf32, #tpu.memory_space<vmem>>
    %dma_start3A_339 = arith.constant 64 : i32
    %dma_start3A_340 = tpu.memref_slice %arg5[%dma_start3A_332, %dma_start3A_339] : memref<128x128xi32, #tpu.memory_space<vmem>> -> memref<1x26xi32, #tpu.memory_space<vmem>>
    %dma_start3A_341 = tpu.memref_squeeze %dma_start3A_340 : memref<1x26xi32, #tpu.memory_space<vmem>> -> memref<26xi32, #tpu.memory_space<vmem>>
    %dma_start3A_342 = arith.constant 0 : i32
    %dma_start3A_343 = arith.constant 0 : i32
    %dma_start3A_344 = tpu.memref_slice %arg2[%dma_start3A_342, %dma_start3A_343] : memref<1000000x128xf32, #tpu.memory_space<hbm>> -> memref<1000000x128xf32, #tpu.memory_space<hbm>>
    %dma_start3A_345 = tpu.memref_slice %arg7[%dma_start3A_334] : memref<3x!tpu.dma_semaphore, #tpu.memory_space<semaphore_mem>> -> memref<1x!tpu.dma_semaphore, #tpu.memory_space<semaphore_mem>>
    %dma_start3A_346 = tpu.memref_squeeze %dma_start3A_345 : memref<1x!tpu.dma_semaphore, #tpu.memory_space<semaphore_mem>> -> memref<!tpu.dma_semaphore, #tpu.memory_space<semaphore_mem>>
    tpu.enqueue_indirect_dma source(%dma_start3A_344 : memref<1000000x128xf32, #tpu.memory_space<hbm>>) target(%dma_start3A_338 : memref<26x128xf32, #tpu.memory_space<vmem>>) offsets(%dma_start3A_341 : memref<26xi32, #tpu.memory_space<vmem>>) semaphore(%dma_start3A_346 : memref<!tpu.dma_semaphore, #tpu.memory_space<semaphore_mem>>)
    %dma_start3A_347 = arith.constant 5 : i32
    %dma_start3A_348 = arith.constant 2 : i32
    %dma_start3A_349 = arith.constant 2 : i32
    %dma_start3A_350 = arith.constant 224 : i32
    %dma_start3A_351 = arith.constant 0 : i32
    %dma_start3A_352 = tpu.memref_slice %arg6[%dma_start3A_348, %dma_start3A_350, %dma_start3A_351] : memref<3x256x128xf32, #tpu.memory_space<vmem>> -> memref<1x26x128xf32, #tpu.memory_space<vmem>>
    %dma_start3A_353 = tpu.memref_squeeze %dma_start3A_352 : memref<1x26x128xf32, #tpu.memory_space<vmem>> -> memref<26x128xf32, #tpu.memory_space<vmem>>
    %dma_start3A_354 = arith.constant 96 : i32
    %dma_start3A_355 = tpu.memref_slice %arg5[%dma_start3A_347, %dma_start3A_354] : memref<128x128xi32, #tpu.memory_space<vmem>> -> memref<1x26xi32, #tpu.memory_space<vmem>>
    %dma_start3A_356 = tpu.memref_squeeze %dma_start3A_355 : memref<1x26xi32, #tpu.memory_space<vmem>> -> memref<26xi32, #tpu.memory_space<vmem>>
    %dma_start3A_357 = arith.constant 0 : i32
    %dma_start3A_358 = arith.constant 0 : i32
    %dma_start3A_359 = tpu.memref_slice %arg2[%dma_start3A_357, %dma_start3A_358] : memref<1000000x128xf32, #tpu.memory_space<hbm>> -> memref<1000000x128xf32, #tpu.memory_space<hbm>>
    %dma_start3A_360 = tpu.memref_slice %arg7[%dma_start3A_349] : memref<3x!tpu.dma_semaphore, #tpu.memory_space<semaphore_mem>> -> memref<1x!tpu.dma_semaphore, #tpu.memory_space<semaphore_mem>>
    %dma_start3A_361 = tpu.memref_squeeze %dma_start3A_360 : memref<1x!tpu.dma_semaphore, #tpu.memory_space<semaphore_mem>> -> memref<!tpu.dma_semaphore, #tpu.memory_space<semaphore_mem>>
    tpu.enqueue_indirect_dma source(%dma_start3A_359 : memref<1000000x128xf32, #tpu.memory_space<hbm>>) target(%dma_start3A_353 : memref<26x128xf32, #tpu.memory_space<vmem>>) offsets(%dma_start3A_356 : memref<26xi32, #tpu.memory_space<vmem>>) semaphore(%dma_start3A_361 : memref<!tpu.dma_semaphore, #tpu.memory_space<semaphore_mem>>)
    %scan3A = arith.constant 0 : i32
    %scan3A_362 = arith.constant 0 : i32
    %scan3A_363 = arith.constant 64 : i32
    %scan3A_364 = arith.addi %scan3A_362, %scan3A_363 : i32
    %scan3A_365 = arith.constant 1 : i32
    scf.for %scan3A_367 = %scan3A_362 to %scan3A_364 step %scan3A_365  : i32 {
      %rem3A = arith.constant 3 : i32
      %rem3A_368 = arith.remsi %scan3A_367, %rem3A : i32
      %dma_wait3A = arith.constant 0 : i32
      %dma_wait3A_369 = arith.constant 0 : i32
      %dma_wait3A_370 = tpu.memref_slice %arg6[%rem3A_368, %dma_wait3A, %dma_wait3A_369] : memref<3x256x128xf32, #tpu.memory_space<vmem>> -> memref<1x208x128xf32, #tpu.memory_space<vmem>>
      %dma_wait3A_371 = tpu.memref_squeeze %dma_wait3A_370 : memref<1x208x128xf32, #tpu.memory_space<vmem>> -> memref<208x128xf32, #tpu.memory_space<vmem>>
      %dma_wait3A_372 = arith.constant 0 : i32
      %dma_wait3A_373 = arith.constant 0 : i32
      %dma_wait3A_374 = tpu.memref_slice %arg4[%dma_wait3A_372, %dma_wait3A_373] : memref<524288x128xf32, #tpu.memory_space<hbm>> -> memref<208x128xf32, #tpu.memory_space<hbm>>
      %dma_wait3A_375 = tpu.memref_slice %arg7[%rem3A_368] : memref<3x!tpu.dma_semaphore, #tpu.memory_space<semaphore_mem>> -> memref<1x!tpu.dma_semaphore, #tpu.memory_space<semaphore_mem>>
      %dma_wait3A_376 = tpu.memref_squeeze %dma_wait3A_375 : memref<1x!tpu.dma_semaphore, #tpu.memory_space<semaphore_mem>> -> memref<!tpu.dma_semaphore, #tpu.memory_space<semaphore_mem>>
      %dma_wait3A_377 = arith.constant 0 : i32
      %dma_wait3A_378 = arith.constant 0 : i32
      %dma_wait3A_379 = tpu.memref_slice %arg6[%rem3A_368, %dma_wait3A_377, %dma_wait3A_378] : memref<3x256x128xf32, #tpu.memory_space<vmem>> -> memref<1x208x128xf32, #tpu.memory_space<vmem>>
      %dma_wait3A_380 = tpu.memref_squeeze %dma_wait3A_379 : memref<1x208x128xf32, #tpu.memory_space<vmem>> -> memref<208x128xf32, #tpu.memory_space<vmem>>
      %dma_wait3A_381 = arith.constant 0 : i32
      %dma_wait3A_382 = arith.constant 0 : i32
      %dma_wait3A_383 = tpu.memref_slice %arg4[%dma_wait3A_381, %dma_wait3A_382] : memref<524288x128xf32, #tpu.memory_space<hbm>> -> memref<208x128xf32, #tpu.memory_space<hbm>>
      tpu.wait_dma2 semaphore(%dma_wait3A_376 : memref<!tpu.dma_semaphore, #tpu.memory_space<semaphore_mem>>) src(%dma_wait3A_383 : memref<208x128xf32, #tpu.memory_space<hbm>>) dst(%dma_wait3A_380 : memref<208x128xf32, #tpu.memory_space<vmem>>)
      %mul3A_384 = arith.constant 256 : i32
      %mul3A_385 = arith.muli %scan3A_367, %mul3A_384 : i32
      %add3A_386 = arith.addi %mul3A_2, %mul3A_385 : i32
      "tpu.region"() ({
        %run_scoped3A = tpu.sem_alloc : memref<!tpu.dma_semaphore, #tpu.memory_space<semaphore_mem>>
        %dma_start3A_391 = arith.constant 0 : i32
        %dma_start3A_392 = arith.constant 0 : i32
        %dma_start3A_393 = tpu.memref_slice %arg6[%rem3A_368, %dma_start3A_391, %dma_start3A_392] : memref<3x256x128xf32, #tpu.memory_space<vmem>> -> memref<1x256x128xf32, #tpu.memory_space<vmem>>
        %dma_start3A_394 = tpu.memref_squeeze %dma_start3A_393 : memref<1x256x128xf32, #tpu.memory_space<vmem>> -> memref<256x128xf32, #tpu.memory_space<vmem>>
        %dma_start3A_395 = arith.constant 0 : i32
        %dma_start3A_396 = tpu.memref_slice %arg4[%add3A_386, %dma_start3A_395] : memref<524288x128xf32, #tpu.memory_space<hbm>> -> memref<256x128xf32, #tpu.memory_space<hbm>>
        %dma_start3A_397 = arith.constant 0 : i32
        %dma_start3A_398 = tpu.memref_slice %arg4[%add3A_386, %dma_start3A_397] : memref<524288x128xf32, #tpu.memory_space<hbm>> -> memref<256x128xf32, #tpu.memory_space<hbm>>
        %dma_start3A_399 = arith.constant 0 : i32
        %dma_start3A_400 = arith.constant 0 : i32
        %dma_start3A_401 = tpu.memref_slice %arg6[%rem3A_368, %dma_start3A_399, %dma_start3A_400] : memref<3x256x128xf32, #tpu.memory_space<vmem>> -> memref<1x256x128xf32, #tpu.memory_space<vmem>>
        %dma_start3A_402 = tpu.memref_squeeze %dma_start3A_401 : memref<1x256x128xf32, #tpu.memory_space<vmem>> -> memref<256x128xf32, #tpu.memory_space<vmem>>
        tpu.enqueue_dma source(%dma_start3A_402 : memref<256x128xf32, #tpu.memory_space<vmem>>) target(%dma_start3A_398 : memref<256x128xf32, #tpu.memory_space<hbm>>) target_semaphore(%run_scoped3A : memref<!tpu.dma_semaphore, #tpu.memory_space<semaphore_mem>>)
        %dma_wait3A_403 = arith.constant 0 : i32
        %dma_wait3A_404 = arith.constant 0 : i32
        %dma_wait3A_405 = tpu.memref_slice %arg6[%rem3A_368, %dma_wait3A_403, %dma_wait3A_404] : memref<3x256x128xf32, #tpu.memory_space<vmem>> -> memref<1x256x128xf32, #tpu.memory_space<vmem>>
        %dma_wait3A_406 = tpu.memref_squeeze %dma_wait3A_405 : memref<1x256x128xf32, #tpu.memory_space<vmem>> -> memref<256x128xf32, #tpu.memory_space<vmem>>
        %dma_wait3A_407 = arith.constant 0 : i32
        %dma_wait3A_408 = tpu.memref_slice %arg4[%add3A_386, %dma_wait3A_407] : memref<524288x128xf32, #tpu.memory_space<hbm>> -> memref<256x128xf32, #tpu.memory_space<hbm>>
        %dma_wait3A_409 = arith.constant 0 : i32
        %dma_wait3A_410 = tpu.memref_slice %arg4[%add3A_386, %dma_wait3A_409] : memref<524288x128xf32, #tpu.memory_space<hbm>> -> memref<256x128xf32, #tpu.memory_space<hbm>>
        %dma_wait3A_411 = arith.constant 0 : i32
        %dma_wait3A_412 = arith.constant 0 : i32
        %dma_wait3A_413 = tpu.memref_slice %arg6[%rem3A_368, %dma_wait3A_411, %dma_wait3A_412] : memref<3x256x128xf32, #tpu.memory_space<vmem>> -> memref<1x256x128xf32, #tpu.memory_space<vmem>>
        %dma_wait3A_414 = tpu.memref_squeeze %dma_wait3A_413 : memref<1x256x128xf32, #tpu.memory_space<vmem>> -> memref<256x128xf32, #tpu.memory_space<vmem>>
        tpu.wait_dma2 semaphore(%run_scoped3A : memref<!tpu.dma_semaphore, #tpu.memory_space<semaphore_mem>>) src(%dma_wait3A_414 : memref<256x128xf32, #tpu.memory_space<vmem>>) dst(%dma_wait3A_410 : memref<256x128xf32, #tpu.memory_space<hbm>>)
        tpu.yield
      }) : () -> ()
      %add3A_387 = arith.constant 3 : i32
      %add3A_388 = arith.addi %scan3A_367, %add3A_387 : i32
      %lt3A = arith.constant 64 : i32
      %lt3A_389 = arith.cmpi slt, %add3A_388, %lt3A : i32
      %convert_element_type3A = arith.extui %lt3A_389 : i1 to i32
      %cond3A = arith.constant 0 : i32
      %cond3A_390 = arith.cmpi ne, %convert_element_type3A, %cond3A : i32
      scf.if %cond3A_390 {
        %add3A_391 = arith.constant 3 : i32
        %add3A_392 = arith.addi %scan3A_367, %add3A_391 : i32
        %mul3A_393 = arith.constant 2 : i32
        %mul3A_394 = arith.muli %add3A_392, %mul3A_393 : i32
        %add3A_395 = arith.constant 0 : i32
        %add3A_396 = arith.addi %mul3A_394, %add3A_395 : i32
        %dma_start3A_397 = arith.constant 0 : i32
        %dma_start3A_398 = arith.constant 0 : i32
        %dma_start3A_399 = tpu.memref_slice %arg6[%rem3A_368, %dma_start3A_397, %dma_start3A_398] : memref<3x256x128xf32, #tpu.memory_space<vmem>> -> memref<1x26x128xf32, #tpu.memory_space<vmem>>
        %dma_start3A_400 = tpu.memref_squeeze %dma_start3A_399 : memref<1x26x128xf32, #tpu.memory_space<vmem>> -> memref<26x128xf32, #tpu.memory_space<vmem>>
        %dma_start3A_401 = arith.constant 0 : i32
        %dma_start3A_402 = tpu.memref_slice %arg5[%add3A_396, %dma_start3A_401] : memref<128x128xi32, #tpu.memory_space<vmem>> -> memref<1x26xi32, #tpu.memory_space<vmem>>
        %dma_start3A_403 = tpu.memref_squeeze %dma_start3A_402 : memref<1x26xi32, #tpu.memory_space<vmem>> -> memref<26xi32, #tpu.memory_space<vmem>>
        %dma_start3A_404 = arith.constant 0 : i32
        %dma_start3A_405 = arith.constant 0 : i32
        %dma_start3A_406 = tpu.memref_slice %arg2[%dma_start3A_404, %dma_start3A_405] : memref<1000000x128xf32, #tpu.memory_space<hbm>> -> memref<1000000x128xf32, #tpu.memory_space<hbm>>
        %dma_start3A_407 = tpu.memref_slice %arg7[%rem3A_368] : memref<3x!tpu.dma_semaphore, #tpu.memory_space<semaphore_mem>> -> memref<1x!tpu.dma_semaphore, #tpu.memory_space<semaphore_mem>>
        %dma_start3A_408 = tpu.memref_squeeze %dma_start3A_407 : memref<1x!tpu.dma_semaphore, #tpu.memory_space<semaphore_mem>> -> memref<!tpu.dma_semaphore, #tpu.memory_space<semaphore_mem>>
        tpu.enqueue_indirect_dma source(%dma_start3A_406 : memref<1000000x128xf32, #tpu.memory_space<hbm>>) target(%dma_start3A_400 : memref<26x128xf32, #tpu.memory_space<vmem>>) offsets(%dma_start3A_403 : memref<26xi32, #tpu.memory_space<vmem>>) semaphore(%dma_start3A_408 : memref<!tpu.dma_semaphore, #tpu.memory_space<semaphore_mem>>)
        %mul3A_409 = arith.constant 2 : i32
        %mul3A_410 = arith.muli %add3A_392, %mul3A_409 : i32
        %add3A_411 = arith.constant 0 : i32
        %add3A_412 = arith.addi %mul3A_410, %add3A_411 : i32
        %dma_start3A_413 = arith.constant 32 : i32
        %dma_start3A_414 = arith.constant 0 : i32
        %dma_start3A_415 = tpu.memref_slice %arg6[%rem3A_368, %dma_start3A_413, %dma_start3A_414] : memref<3x256x128xf32, #tpu.memory_space<vmem>> -> memref<1x26x128xf32, #tpu.memory_space<vmem>>
        %dma_start3A_416 = tpu.memref_squeeze %dma_start3A_415 : memref<1x26x128xf32, #tpu.memory_space<vmem>> -> memref<26x128xf32, #tpu.memory_space<vmem>>
        %dma_start3A_417 = arith.constant 32 : i32
        %dma_start3A_418 = tpu.memref_slice %arg5[%add3A_412, %dma_start3A_417] : memref<128x128xi32, #tpu.memory_space<vmem>> -> memref<1x26xi32, #tpu.memory_space<vmem>>
        %dma_start3A_419 = tpu.memref_squeeze %dma_start3A_418 : memref<1x26xi32, #tpu.memory_space<vmem>> -> memref<26xi32, #tpu.memory_space<vmem>>
        %dma_start3A_420 = arith.constant 0 : i32
        %dma_start3A_421 = arith.constant 0 : i32
        %dma_start3A_422 = tpu.memref_slice %arg2[%dma_start3A_420, %dma_start3A_421] : memref<1000000x128xf32, #tpu.memory_space<hbm>> -> memref<1000000x128xf32, #tpu.memory_space<hbm>>
        %dma_start3A_423 = tpu.memref_slice %arg7[%rem3A_368] : memref<3x!tpu.dma_semaphore, #tpu.memory_space<semaphore_mem>> -> memref<1x!tpu.dma_semaphore, #tpu.memory_space<semaphore_mem>>
        %dma_start3A_424 = tpu.memref_squeeze %dma_start3A_423 : memref<1x!tpu.dma_semaphore, #tpu.memory_space<semaphore_mem>> -> memref<!tpu.dma_semaphore, #tpu.memory_space<semaphore_mem>>
        tpu.enqueue_indirect_dma source(%dma_start3A_422 : memref<1000000x128xf32, #tpu.memory_space<hbm>>) target(%dma_start3A_416 : memref<26x128xf32, #tpu.memory_space<vmem>>) offsets(%dma_start3A_419 : memref<26xi32, #tpu.memory_space<vmem>>) semaphore(%dma_start3A_424 : memref<!tpu.dma_semaphore, #tpu.memory_space<semaphore_mem>>)
        %mul3A_425 = arith.constant 2 : i32
        %mul3A_426 = arith.muli %add3A_392, %mul3A_425 : i32
        %add3A_427 = arith.constant 0 : i32
        %add3A_428 = arith.addi %mul3A_426, %add3A_427 : i32
        %dma_start3A_429 = arith.constant 64 : i32
        %dma_start3A_430 = arith.constant 0 : i32
        %dma_start3A_431 = tpu.memref_slice %arg6[%rem3A_368, %dma_start3A_429, %dma_start3A_430] : memref<3x256x128xf32, #tpu.memory_space<vmem>> -> memref<1x26x128xf32, #tpu.memory_space<vmem>>
        %dma_start3A_432 = tpu.memref_squeeze %dma_start3A_431 : memref<1x26x128xf32, #tpu.memory_space<vmem>> -> memref<26x128xf32, #tpu.memory_space<vmem>>
        %dma_start3A_433 = arith.constant 64 : i32
        %dma_start3A_434 = tpu.memref_slice %arg5[%add3A_428, %dma_start3A_433] : memref<128x128xi32, #tpu.memory_space<vmem>> -> memref<1x26xi32, #tpu.memory_space<vmem>>
        %dma_start3A_435 = tpu.memref_squeeze %dma_start3A_434 : memref<1x26xi32, #tpu.memory_space<vmem>> -> memref<26xi32, #tpu.memory_space<vmem>>
        %dma_start3A_436 = arith.constant 0 : i32
        %dma_start3A_437 = arith.constant 0 : i32
        %dma_start3A_438 = tpu.memref_slice %arg2[%dma_start3A_436, %dma_start3A_437] : memref<1000000x128xf32, #tpu.memory_space<hbm>> -> memref<1000000x128xf32, #tpu.memory_space<hbm>>
        %dma_start3A_439 = tpu.memref_slice %arg7[%rem3A_368] : memref<3x!tpu.dma_semaphore, #tpu.memory_space<semaphore_mem>> -> memref<1x!tpu.dma_semaphore, #tpu.memory_space<semaphore_mem>>
        %dma_start3A_440 = tpu.memref_squeeze %dma_start3A_439 : memref<1x!tpu.dma_semaphore, #tpu.memory_space<semaphore_mem>> -> memref<!tpu.dma_semaphore, #tpu.memory_space<semaphore_mem>>
        tpu.enqueue_indirect_dma source(%dma_start3A_438 : memref<1000000x128xf32, #tpu.memory_space<hbm>>) target(%dma_start3A_432 : memref<26x128xf32, #tpu.memory_space<vmem>>) offsets(%dma_start3A_435 : memref<26xi32, #tpu.memory_space<vmem>>) semaphore(%dma_start3A_440 : memref<!tpu.dma_semaphore, #tpu.memory_space<semaphore_mem>>)
        %mul3A_441 = arith.constant 2 : i32
        %mul3A_442 = arith.muli %add3A_392, %mul3A_441 : i32
        %add3A_443 = arith.constant 0 : i32
        %add3A_444 = arith.addi %mul3A_442, %add3A_443 : i32
        %dma_start3A_445 = arith.constant 96 : i32
        %dma_start3A_446 = arith.constant 0 : i32
        %dma_start3A_447 = tpu.memref_slice %arg6[%rem3A_368, %dma_start3A_445, %dma_start3A_446] : memref<3x256x128xf32, #tpu.memory_space<vmem>> -> memref<1x26x128xf32, #tpu.memory_space<vmem>>
        %dma_start3A_448 = tpu.memref_squeeze %dma_start3A_447 : memref<1x26x128xf32, #tpu.memory_space<vmem>> -> memref<26x128xf32, #tpu.memory_space<vmem>>
        %dma_start3A_449 = arith.constant 96 : i32
        %dma_start3A_450 = tpu.memref_slice %arg5[%add3A_444, %dma_start3A_449] : memref<128x128xi32, #tpu.memory_space<vmem>> -> memref<1x26xi32, #tpu.memory_space<vmem>>
        %dma_start3A_451 = tpu.memref_squeeze %dma_start3A_450 : memref<1x26xi32, #tpu.memory_space<vmem>> -> memref<26xi32, #tpu.memory_space<vmem>>
        %dma_start3A_452 = arith.constant 0 : i32
        %dma_start3A_453 = arith.constant 0 : i32
        %dma_start3A_454 = tpu.memref_slice %arg2[%dma_start3A_452, %dma_start3A_453] : memref<1000000x128xf32, #tpu.memory_space<hbm>> -> memref<1000000x128xf32, #tpu.memory_space<hbm>>
        %dma_start3A_455 = tpu.memref_slice %arg7[%rem3A_368] : memref<3x!tpu.dma_semaphore, #tpu.memory_space<semaphore_mem>> -> memref<1x!tpu.dma_semaphore, #tpu.memory_space<semaphore_mem>>
        %dma_start3A_456 = tpu.memref_squeeze %dma_start3A_455 : memref<1x!tpu.dma_semaphore, #tpu.memory_space<semaphore_mem>> -> memref<!tpu.dma_semaphore, #tpu.memory_space<semaphore_mem>>
        tpu.enqueue_indirect_dma source(%dma_start3A_454 : memref<1000000x128xf32, #tpu.memory_space<hbm>>) target(%dma_start3A_448 : memref<26x128xf32, #tpu.memory_space<vmem>>) offsets(%dma_start3A_451 : memref<26xi32, #tpu.memory_space<vmem>>) semaphore(%dma_start3A_456 : memref<!tpu.dma_semaphore, #tpu.memory_space<semaphore_mem>>)
        %mul3A_457 = arith.constant 2 : i32
        %mul3A_458 = arith.muli %add3A_392, %mul3A_457 : i32
        %add3A_459 = arith.constant 1 : i32
        %add3A_460 = arith.addi %mul3A_458, %add3A_459 : i32
        %dma_start3A_461 = arith.constant 128 : i32
        %dma_start3A_462 = arith.constant 0 : i32
        %dma_start3A_463 = tpu.memref_slice %arg6[%rem3A_368, %dma_start3A_461, %dma_start3A_462] : memref<3x256x128xf32, #tpu.memory_space<vmem>> -> memref<1x26x128xf32, #tpu.memory_space<vmem>>
        %dma_start3A_464 = tpu.memref_squeeze %dma_start3A_463 : memref<1x26x128xf32, #tpu.memory_space<vmem>> -> memref<26x128xf32, #tpu.memory_space<vmem>>
        %dma_start3A_465 = arith.constant 0 : i32
        %dma_start3A_466 = tpu.memref_slice %arg5[%add3A_460, %dma_start3A_465] : memref<128x128xi32, #tpu.memory_space<vmem>> -> memref<1x26xi32, #tpu.memory_space<vmem>>
        %dma_start3A_467 = tpu.memref_squeeze %dma_start3A_466 : memref<1x26xi32, #tpu.memory_space<vmem>> -> memref<26xi32, #tpu.memory_space<vmem>>
        %dma_start3A_468 = arith.constant 0 : i32
        %dma_start3A_469 = arith.constant 0 : i32
        %dma_start3A_470 = tpu.memref_slice %arg2[%dma_start3A_468, %dma_start3A_469] : memref<1000000x128xf32, #tpu.memory_space<hbm>> -> memref<1000000x128xf32, #tpu.memory_space<hbm>>
        %dma_start3A_471 = tpu.memref_slice %arg7[%rem3A_368] : memref<3x!tpu.dma_semaphore, #tpu.memory_space<semaphore_mem>> -> memref<1x!tpu.dma_semaphore, #tpu.memory_space<semaphore_mem>>
        %dma_start3A_472 = tpu.memref_squeeze %dma_start3A_471 : memref<1x!tpu.dma_semaphore, #tpu.memory_space<semaphore_mem>> -> memref<!tpu.dma_semaphore, #tpu.memory_space<semaphore_mem>>
        tpu.enqueue_indirect_dma source(%dma_start3A_470 : memref<1000000x128xf32, #tpu.memory_space<hbm>>) target(%dma_start3A_464 : memref<26x128xf32, #tpu.memory_space<vmem>>) offsets(%dma_start3A_467 : memref<26xi32, #tpu.memory_space<vmem>>) semaphore(%dma_start3A_472 : memref<!tpu.dma_semaphore, #tpu.memory_space<semaphore_mem>>)
        %mul3A_473 = arith.constant 2 : i32
        %mul3A_474 = arith.muli %add3A_392, %mul3A_473 : i32
        %add3A_475 = arith.constant 1 : i32
        %add3A_476 = arith.addi %mul3A_474, %add3A_475 : i32
        %dma_start3A_477 = arith.constant 160 : i32
        %dma_start3A_478 = arith.constant 0 : i32
        %dma_start3A_479 = tpu.memref_slice %arg6[%rem3A_368, %dma_start3A_477, %dma_start3A_478] : memref<3x256x128xf32, #tpu.memory_space<vmem>> -> memref<1x26x128xf32, #tpu.memory_space<vmem>>
        %dma_start3A_480 = tpu.memref_squeeze %dma_start3A_479 : memref<1x26x128xf32, #tpu.memory_space<vmem>> -> memref<26x128xf32, #tpu.memory_space<vmem>>
        %dma_start3A_481 = arith.constant 32 : i32
        %dma_start3A_482 = tpu.memref_slice %arg5[%add3A_476, %dma_start3A_481] : memref<128x128xi32, #tpu.memory_space<vmem>> -> memref<1x26xi32, #tpu.memory_space<vmem>>
        %dma_start3A_483 = tpu.memref_squeeze %dma_start3A_482 : memref<1x26xi32, #tpu.memory_space<vmem>> -> memref<26xi32, #tpu.memory_space<vmem>>
        %dma_start3A_484 = arith.constant 0 : i32
        %dma_start3A_485 = arith.constant 0 : i32
        %dma_start3A_486 = tpu.memref_slice %arg2[%dma_start3A_484, %dma_start3A_485] : memref<1000000x128xf32, #tpu.memory_space<hbm>> -> memref<1000000x128xf32, #tpu.memory_space<hbm>>
        %dma_start3A_487 = tpu.memref_slice %arg7[%rem3A_368] : memref<3x!tpu.dma_semaphore, #tpu.memory_space<semaphore_mem>> -> memref<1x!tpu.dma_semaphore, #tpu.memory_space<semaphore_mem>>
        %dma_start3A_488 = tpu.memref_squeeze %dma_start3A_487 : memref<1x!tpu.dma_semaphore, #tpu.memory_space<semaphore_mem>> -> memref<!tpu.dma_semaphore, #tpu.memory_space<semaphore_mem>>
        tpu.enqueue_indirect_dma source(%dma_start3A_486 : memref<1000000x128xf32, #tpu.memory_space<hbm>>) target(%dma_start3A_480 : memref<26x128xf32, #tpu.memory_space<vmem>>) offsets(%dma_start3A_483 : memref<26xi32, #tpu.memory_space<vmem>>) semaphore(%dma_start3A_488 : memref<!tpu.dma_semaphore, #tpu.memory_space<semaphore_mem>>)
        %mul3A_489 = arith.constant 2 : i32
        %mul3A_490 = arith.muli %add3A_392, %mul3A_489 : i32
        %add3A_491 = arith.constant 1 : i32
        %add3A_492 = arith.addi %mul3A_490, %add3A_491 : i32
        %dma_start3A_493 = arith.constant 192 : i32
        %dma_start3A_494 = arith.constant 0 : i32
        %dma_start3A_495 = tpu.memref_slice %arg6[%rem3A_368, %dma_start3A_493, %dma_start3A_494] : memref<3x256x128xf32, #tpu.memory_space<vmem>> -> memref<1x26x128xf32, #tpu.memory_space<vmem>>
        %dma_start3A_496 = tpu.memref_squeeze %dma_start3A_495 : memref<1x26x128xf32, #tpu.memory_space<vmem>> -> memref<26x128xf32, #tpu.memory_space<vmem>>
        %dma_start3A_497 = arith.constant 64 : i32
        %dma_start3A_498 = tpu.memref_slice %arg5[%add3A_492, %dma_start3A_497] : memref<128x128xi32, #tpu.memory_space<vmem>> -> memref<1x26xi32, #tpu.memory_space<vmem>>
        %dma_start3A_499 = tpu.memref_squeeze %dma_start3A_498 : memref<1x26xi32, #tpu.memory_space<vmem>> -> memref<26xi32, #tpu.memory_space<vmem>>
        %dma_start3A_500 = arith.constant 0 : i32
        %dma_start3A_501 = arith.constant 0 : i32
        %dma_start3A_502 = tpu.memref_slice %arg2[%dma_start3A_500, %dma_start3A_501] : memref<1000000x128xf32, #tpu.memory_space<hbm>> -> memref<1000000x128xf32, #tpu.memory_space<hbm>>
        %dma_start3A_503 = tpu.memref_slice %arg7[%rem3A_368] : memref<3x!tpu.dma_semaphore, #tpu.memory_space<semaphore_mem>> -> memref<1x!tpu.dma_semaphore, #tpu.memory_space<semaphore_mem>>
        %dma_start3A_504 = tpu.memref_squeeze %dma_start3A_503 : memref<1x!tpu.dma_semaphore, #tpu.memory_space<semaphore_mem>> -> memref<!tpu.dma_semaphore, #tpu.memory_space<semaphore_mem>>
        tpu.enqueue_indirect_dma source(%dma_start3A_502 : memref<1000000x128xf32, #tpu.memory_space<hbm>>) target(%dma_start3A_496 : memref<26x128xf32, #tpu.memory_space<vmem>>) offsets(%dma_start3A_499 : memref<26xi32, #tpu.memory_space<vmem>>) semaphore(%dma_start3A_504 : memref<!tpu.dma_semaphore, #tpu.memory_space<semaphore_mem>>)
        %mul3A_505 = arith.constant 2 : i32
        %mul3A_506 = arith.muli %add3A_392, %mul3A_505 : i32
        %add3A_507 = arith.constant 1 : i32
        %add3A_508 = arith.addi %mul3A_506, %add3A_507 : i32
        %dma_start3A_509 = arith.constant 224 : i32
        %dma_start3A_510 = arith.constant 0 : i32
        %dma_start3A_511 = tpu.memref_slice %arg6[%rem3A_368, %dma_start3A_509, %dma_start3A_510] : memref<3x256x128xf32, #tpu.memory_space<vmem>> -> memref<1x26x128xf32, #tpu.memory_space<vmem>>
        %dma_start3A_512 = tpu.memref_squeeze %dma_start3A_511 : memref<1x26x128xf32, #tpu.memory_space<vmem>> -> memref<26x128xf32, #tpu.memory_space<vmem>>
        %dma_start3A_513 = arith.constant 96 : i32
        %dma_start3A_514 = tpu.memref_slice %arg5[%add3A_508, %dma_start3A_513] : memref<128x128xi32, #tpu.memory_space<vmem>> -> memref<1x26xi32, #tpu.memory_space<vmem>>
        %dma_start3A_515 = tpu.memref_squeeze %dma_start3A_514 : memref<1x26xi32, #tpu.memory_space<vmem>> -> memref<26xi32, #tpu.memory_space<vmem>>
        %dma_start3A_516 = arith.constant 0 : i32
        %dma_start3A_517 = arith.constant 0 : i32
        %dma_start3A_518 = tpu.memref_slice %arg2[%dma_start3A_516, %dma_start3A_517] : memref<1000000x128xf32, #tpu.memory_space<hbm>> -> memref<1000000x128xf32, #tpu.memory_space<hbm>>
        %dma_start3A_519 = tpu.memref_slice %arg7[%rem3A_368] : memref<3x!tpu.dma_semaphore, #tpu.memory_space<semaphore_mem>> -> memref<1x!tpu.dma_semaphore, #tpu.memory_space<semaphore_mem>>
        %dma_start3A_520 = tpu.memref_squeeze %dma_start3A_519 : memref<1x!tpu.dma_semaphore, #tpu.memory_space<semaphore_mem>> -> memref<!tpu.dma_semaphore, #tpu.memory_space<semaphore_mem>>
        tpu.enqueue_indirect_dma source(%dma_start3A_518 : memref<1000000x128xf32, #tpu.memory_space<hbm>>) target(%dma_start3A_512 : memref<26x128xf32, #tpu.memory_space<vmem>>) offsets(%dma_start3A_515 : memref<26xi32, #tpu.memory_space<vmem>>) semaphore(%dma_start3A_520 : memref<!tpu.dma_semaphore, #tpu.memory_space<semaphore_mem>>)
      } else {
      }
    }
    %scan3A_366 = arith.constant 64 : i32
    return
  }
}

</mosaic_0001>

<sc_bundles>
// kernel: kernel.3.cloned.1.call-start
scs
__scs_entry_jumppad:
0x0: {  	(pc) =	sbr.rel $0x88, $3  }
0x1: {  	(tag) =	ssettag $0x0;
	lr =	simm.s32 $0x1  }
0x2: {  	[smem:$0x3F9F] =	sst lr;
	_ =	strace $0xD0000000  }
0x3: {  	_ = 	snop  }
0x4: {  	_ = 	snop  }
0x5: {  	_ = 	snop  }
0x6: {  	_ = 	snop  }
0x7: {  	_ = 	snop  }
__scs_overlays_trampoline_lowered:
0x8: {  	[smem:$0x3FAE] =	sst s0  }
0x9: {  	[smem:$0x3FAF] =	sst s1  }
0xa: {  	[smem:$0x3FB0] =	sst s2  }
0xb: {  	[smem:$0x3FB1] =	sst s3  }
0xc: {  	[smem:$0x3FB2] =	sst s4  }
0xd: {  	[smem:$0x3FB3] =	sst s5  }
0xe: {  	[smem:$0x3FB4] =	sst s6  }
0xf: {  	[smem:$0x3FB5] =	sst s7  }
0x10: {  	[smem:$0x3FB6] =	sst s8  }
0x11: {  	[smem:$0x3FB7] =	sst s9;
	s0 =	simm.s32 @!p0 $0x0  }
0x12: {  	s1 =	sld [smem:$0x3F9D];
	s0 =	simm.s32 @p0 $0x1  }
0x13: {  	[smem:$0x3FB8] =	sst s0;
	s0 =	simm.s32 @!p1 $0x0  }
0x14: {  	s2 =	sld [smem:$0x3F9C];
	s0 =	simm.s32 @p1 $0x1  }
0x15: {  	[smem:$0x3FB9] =	sst s0;
	s0 =	simm.s32 @!p2 $0x0  }
0x16: {  	s3 =	sld [smem:$0x3FDB];
	s0 =	simm.s32 @p2 $0x1  }
0x17: {  	s4 =	simm.s32 $0x1BF5;
	[smem:$0x3FBB] =	sst s0  }
0x18: {  	s0 =	sld [smem:$0x3F9E];
	_ =	swait.ge [sflag:s4], $0x0  }
0x19: {  	s7 =	sld [smem:$0x3F9F]  }
0x1a: {  	s8 =	sadd.s32 $0xFFFFE003, lr  }
0x1b: {  	s9 =	sadd.s32 $0xFFFFFEF7, lr;
	s5 =	simm.s32 $0xFFFFFFFF;
	p2 =	slt.u32 s8, $0xFFFFF086  }
0x1c: {  	p1 =	slt.u32 s9, $0xF7A;
	s5 =	simm.s32 @!p2 $0x0  }
0x1d: {  	s5 =	simm.s32 @p1 $0x1;
	p0 =	seq.s32 s7, s2  }
0x1e: {  	s7 =	smul.u32 @!p0 $0xF7A, s2;
	p2 =	seq.s32 @!p0 s5, $0x0  }
0x1f: {  	s9 =	smul.u32 $0xF7A, s1;
	s8 =	simm.s32 @!p0 $0x1BF5;
	p2 =	por !p2, p0  }
0x20: {  	[sflag:s8] =	ssyncset.s32 @!p0 $0xFFFFF086;
	s6 =	sadd.s32 @!p0 s3, s7;
	s7 =	simm.s32 @!p0 $0x108  }
0x21: {  	s3 =	sadd.s32 s3, s9;
	s6 =	sadd.s32 @!p0 $0x88, s6;
	s7 =	simm.s32 @p2 $0x1082  }
0x22: {  	[simem:s7], [sflag:s8] =	dma.local @!p0 [hbm:s6], $0xF7A  }
0x23: {  	s9 =	sor.u32 $0xD0000000, s2;
	s6 =	simm.s32 $0x108;
	_ =	swait.ge @!p0 [sflag:s8], $0x0  }
0x24: {  	s3 =	sadd.s32 $0x88, s3;
	s6 =	simm.s32 @!p1 $0x1082;
	[sflag:s4] =	ssyncset.s32 $0xFFFFF086  }
0x25: {  	[simem:s6], [sflag:s4] =	dma.local [hbm:s3], $0xF7A  }
0x26: {  	[smem:$0x3F9F] =	sst s1;
	(tag) =	ssettag s2;
	_ =	strace s9  }
0x27: {  	s1 =	sld [smem:$0x3FAF]  }
0x28: {  	s2 =	sld [smem:$0x3FB0]  }
0x29: {  	s4 =	sld [smem:$0x3FB2]  }
0x2a: {  	p0 =	seq.s32 s5, $0x0;
	s5 =	sld [smem:$0x3FB3]  }
0x2b: {  	s6 =	sld [smem:$0x3FB4]  }
0x2c: {  	s7 =	sld [smem:$0x3FB5]  }
0x2d: {  	s3 =	simm.s32 $0x108;
	s8 =	sld [smem:$0x3FB6]  }
0x2e: {  	s3 =	simm.s32 @!p0 $0x1082;
	s9 =	sld [smem:$0x3FB7]  }
0x2f: {  	lr =	sadd.s32 s0, s3;
	s0 =	sld [smem:$0x3FAE]  }
0x30: {  	s3 =	sld [smem:$0x3FB1]  }
0x31: {  	[smem:$0x3FBA] =	sst s10  }
0x32: {  	s10 =	sld [smem:$0x3FB8];
	_ =	sdelay $0x3  }
0x33: {  	p0 =	seq.s32 s10, $0x1;
	s10 =	sld [smem:$0x3FBA];
	_ =	sdelay $0x3  }
0x34: {  	[smem:$0x3FBA] =	sst s10  }
0x35: {  	s10 =	sld [smem:$0x3FB9];
	_ =	sdelay $0x3  }
0x36: {  	p1 =	seq.s32 s10, $0x1;
	s10 =	sld [smem:$0x3FBA];
	_ =	sdelay $0x3  }
0x37: {  	[smem:$0x3FBA] =	sst s10  }
0x38: {  	s10 =	sld [smem:$0x3FBB]  }
0x39: {  	_ = 	snop;
	(pc) =	sbr.ind lr, $3  }
0x3a: {  	_ = 	snop  }
0x3b: {  	_ = 	snop  }
0x3c: {  	p2 =	seq.s32 s10, $0x1;
	s10 =	sld [smem:$0x3FBA]  }
0x3d: {  	_ =	shalt  }
0x3e: {  	_ =	shalt  }
0x3f: {  	_ =	shalt  }
0x40: {  	_ =	shalt  }
0x41: {  	_ =	shalt  }
0x42: {  	_ =	shalt  }
0x43: {  	_ =	shalt  }
0x44: {  	_ =	shalt  }
0x45: {  	_ =	shalt  }
0x46: {  	_ =	shalt  }
0x47: {  	_ =	shalt  }
0x48: {  	_ =	shalt  }
0x49: {  	_ =	shalt  }
0x4a: {  	_ =	shalt  }
0x4b: {  	_ =	shalt  }
0x4c: {  	_ =	shalt  }
0x4d: {  	_ =	shalt  }
0x4e: {  	_ =	shalt  }
0x4f: {  	_ =	shalt  }
0x50: {  	_ =	shalt  }
0x51: {  	_ =	shalt  }
0x52: {  	_ =	shalt  }
0x53: {  	_ =	shalt  }
0x54: {  	_ =	shalt  }
0x55: {  	_ =	shalt  }
0x56: {  	_ =	shalt  }
0x57: {  	_ =	shalt  }
0x58: {  	_ =	shalt  }
0x59: {  	_ =	shalt  }
0x5a: {  	_ =	shalt  }
0x5b: {  	_ =	shalt  }
0x5c: {  	_ =	shalt  }
0x5d: {  	_ =	shalt  }
0x5e: {  	_ =	shalt  }
0x5f: {  	_ =	shalt  }
0x60: {  	_ =	shalt  }
0x61: {  	_ =	shalt  }
0x62: {  	_ =	shalt  }
0x63: {  	_ =	shalt  }
0x64: {  	_ =	shalt  }
0x65: {  	_ =	shalt  }
0x66: {  	_ =	shalt  }
0x67: {  	_ =	shalt  }
0x68: {  	_ =	shalt  }
0x69: {  	_ =	shalt  }
0x6a: {  	_ =	shalt  }
0x6b: {  	_ =	shalt  }
0x6c: {  	_ =	shalt  }
0x6d: {  	_ =	shalt  }
0x6e: {  	_ =	shalt  }
0x6f: {  	_ =	shalt  }
0x70: {  	_ =	shalt  }
0x71: {  	_ =	shalt  }
0x72: {  	_ =	shalt  }
0x73: {  	_ =	shalt  }
0x74: {  	_ =	shalt  }
0x75: {  	_ =	shalt  }
0x76: {  	_ =	shalt  }
0x77: {  	_ =	shalt  }
0x78: {  	_ =	shalt  }
0x79: {  	_ =	shalt  }
0x7a: {  	_ =	shalt  }
0x7b: {  	_ =	shalt  }
0x7c: {  	_ =	shalt  }
0x7d: {  	_ =	shalt  }
0x7e: {  	_ =	shalt  }
0x7f: {  	_ =	shalt  }
0x80: {  	_ =	shalt  }
0x81: {  	_ =	shalt  }
0x82: {  	_ =	shalt  }
0x83: {  	_ =	shalt  }
0x84: {  	_ =	shalt  }
0x85: {  	_ =	shalt  }
0x86: {  	_ =	shalt  }
0x87: {  	_ =	shalt  }
.Lfunc_end0:
.L_simem_size_0:
called_computation.1_lowered:
.L_overlay_start_0:
0x88: {  	s2 =	sld [smem:$0x3FD9]  }
0x89: {  	s3 =	sld [smem:$0x3FFE];
	_ =	sdelay $0x1  }
0x8a: {  	s1 =	srdreg.scid  }
0x8b: {  	s0 =	sand.u32 $0x1, s1  }
0x8c: {  	s17 =	sshll.u32 s0, $0xA;
	s2 =	sadd.s32 s3, s2  }
0x8d: {  	s2 =	sadd.s32 s2, s17  }
0x8e: {  	[smem:$0x3FC6] =	sst s2  }
0x8f: {  	_ = 	snop  }
0x90: {  	s2 =	sld [smem:$0x3FD0];
	(tm) =	ssettm $0x1  }
0x91: {  	s18 =	sld [smem:$0x3FFB];
	_ =	sdelay $0x3  }
0x92: {  	_ =	strace s18  }
0x93: {  	s3 =	sld [smem:$0x3FFC];
	_ =	sdelay $0x3  }
0x94: {  	_ =	strace s3  }
0x95: {  	s3 =	sld [smem:$0x3FFD];
	_ =	sdelay $0x3  }
0x96: {  	_ =	strace s3  }
0x97: {  	_ =	strace $0x8FFFFFFF  }
0x98: {  	s19 =	sld [smem:$0x3FDB];
	_ =	sdelay $0x1  }
0x99: {  	s4 =	simm.s32 $_scs_section_size  }
0x9a: {  	s5 =	simm.s32 $_size__tile_overlayer_lowered;
	s6 =	simm.s32 $_tile_overlayer_lowered  }
0x9b: {  	s22 =	simm.s32 $0x1BFF;
	s21 =	sshll.u32 s6, $0x1;
	s3 =	sadd.s32 s4, s19  }
0x9c: {  	s7 =	simm.s32 $0x0;
	s20 =	sshll.u32 s5, $0x1;
	s5 =	sadd.s32 s21, s3  }
0x9d: {  	[timem:s7], [sflag:s22] =	dma.local [hbm:s5], s20  }
0x9e: {  	_ =	swait.ge [sflag:s22], s20  }
0x9f: {  	s4 =	ssub.s32 $0x0, s20;
	[sflag:s22] =	ssyncset.done $0x0  }
0xa0: {  	[sflag:s22] =	ssyncadd.s32 s4;
	_ =	sdelay $0x1  }
0xa1: {  	s23 =	simm.s32 $0x1B8B  }
0xa2: {  	_ =	swait.ge [sflag:s23], $0x1  }
0xa3: {  	[sflag:s23] =	ssyncset.done $0x0  }
0xa4: {  	s25 =	simm.s32 $0x1B8E;
	s24 =	sld [smem:$0x3FFE];
	[sflag:s23] =	ssyncadd.s32 $0xFFFFFFFF  }
0xa5: {  	s26 =	simm.s32 $execute0_lowered;
	[smem:$0x3FD2] =	sst s25  }
0xa6: {  	s5 =	sshll.u32 s26, $0x1;
	_ =	strace $0x80000046;
	[dreg:$0x1] =	wrdreg $0xFFFFFFFF  }
0xa7: {  	s28 =	simm.s32 $_size_execute0_lowered;
	s3 =	sadd.s32 s3, s5;
	[dreg:$0x0] =	wrdreg $0x0  }
0xa8: {  	s5 =	sshll.u32 s28, $0x1;
	[dreg:$0x2] =	wrdreg s3  }
0xa9: {  	[dreg:$0x3] =	wrdreg s5  }
0xaa: {  	[dreg:$0x4] =	wrdreg $0xC0  }
0xab: {  	_ =	task [dreg:s7], $0x5FFFF  }
0xac: {  	[dreg:$0x1] =	wrdreg $0xFFFFFFFF  }
0xad: {  	[dreg:$0x0] =	wrdreg $0x60  }
0xae: {  	[dreg:$0x2] =	wrdreg s24  }
0xaf: {  	[dreg:$0x3] =	wrdreg s2  }
0xb0: {  	[dreg:$0x4] =	wrdreg $0x9  }
0xb1: {  	_ =	task.clear_ibuf [dreg:s7], $0x5FFFF;
	_ =	strace $0x90000046  }
0xb2: {  	s29 =	simm.s32 $0x9;
	_ =	strace $0x80000048  }
0xb3: {  	_ =	swait.ge [sflag:s29], $0x1  }
0xb4: {  	[sflag:s29] =	ssyncadd.s32 $0xFFFFFFFF  }
0xb5: {  	_ =	strace $0x90000048  }
0xb6: {  	_ =	sfence  }
0xb7: {  	s30 =	sld [smem:$0x0];
	_ =	sdelay $0x2  }
0xb8: {  	s31 =	sshll.u32 s1, $0xD;
	s1 =	sshrl.u32 s1, $0x2  }
0xb9: {  	s3 =	sand.u32 $0x4000, s31;
	s1 =	sadd.s32 s1, s30  }
0xba: {  	s0 =	sor.u32 s3, s0;
	s1 =	sshll.u32 s1, $0x11  }
0xbb: {  	s0 =	sor.u32 s1, s0  }
0xbc: {  	s0 =	sadd.s32 $0x8F2B, s0  }
0xbd: {  	[sflag:s0] =	ssyncadd.remote.s32 $0x1  }
0xbe: {  	_ =	sfence.sel $0xFFFF  }
0xbf: {  	[dreg:$0x0] =	wrdreg $0xFFFFFFFF;
	(pc) =	sbr.abs _section_cstart, $3  }
0xc0: {  	[dreg:$0x1] =	wrdreg $0xFFFFFFFF  }
0xc1: {  	_ =	task.clear_ibuf [dreg:s7], $0x2FFFF;
	_ =	strace $0x9FFFFFFF  }
0xc2: {  	(tm) =	ssettm $0x7FFFFFFF  }
0xc3: {  	_ =	shalt  }
tec
execute0_lowered:
.L_overlay_start_1:
0x0: {  	(tag) =	ssettag $0x1  }
0x1: {  	s0 =	rddreg [dreg:$0x0]  }
0x2: {  	s1 =	rddreg [dreg:$0x1];
	s2 =	simm.s32 $0x0;
	s7 =	stileid.u32  }
0x3: {  	s4 =	srdreg.scid;
	s28 =	simm.s32 $0x19000;
	s29 =	simm.s32 $0x2C0  }
0x4: {  	s30 =	simm.s32 $0x1A000;
	s31 =	simm.s32 $0x2E0;
	[smem:$0x7FF] =	sst s2  }
0x5: {  	s3 =	sadd.s32 $0x800, s0;
	s5 =	sshll.u32 s7, $0x13;
	s4 =	sand.u32 $0x1, s4  }
0x6: {  	s7 =	sshll.u32 s7, $0xF;
	_ =	strace $0x80000047;
	s6 =	ssub.s32 $0x2, s4  }
0x7: {  	s8 =	sshll.u32 s4, $0xE;
	s0 =	sadd.s32 s5, s0;
	s26 =	sshll.u32 s4, $0x12  }
0x8: {  	s24 =	sshrl.u32 s6, $0x1;
	s7 =	sor.u32 s8, s7;
	s0 =	sadd.s32 s26, s0  }
0x9: {  	s8 =	simm.s32 $0x1A;
	s5 =	ssub.s32 s6, s24;
	s25 =	sshrl.u32 s7, $0x3  }
0xa: {  	s6 =	sadd.s32 $0xF42C00, s0;
	s7 =	simm.s32 $0x4;
	s0 =	simm.s32 $0x1B000  }
0xb: {  	s4 =	sadd.s32 s1, s25;
	s5 =	smax.u32 s5, $0x1;
	s1 =	simm.s32 $0x0  }
.LBB2_1:
0xc: {  	[tilespmem:s2], [sflag:$0x4] =	stream.linear.gather [hbm4b:s4+s2], $0x4000, $0x38;
	[tilespmem:$0x1C000] =	vst v63  }
0xd: {  	_ =	swait.ge [sflag:s7], $0x4000  }
0xe: {  	[sflag:s7] =	ssyncset.done $0x0  }
0xf: {  	s9 =	simm.s32 $0x4000;
	[sflag:s7] =	ssyncadd.s32 $0xFFFFC000  }
0x10: {  	[tilespmem:s9], [sflag:$0x1] =	stream.indirect.gather [hbm4b:s3+s8], $0x80, s2, s8, $0xb8;
	[tilespmem:$0x1C000] =	vst v63  }
0x11: {  	s16 =	simm.s32 $0x20;
	s10 =	simm.s32 $0x5000  }
0x12: {  	[tilespmem:s10], [sflag:$0x1] =	stream.indirect.gather [hbm4b:s3+s8], $0x80, s16, s8, $0xb8;
	[tilespmem:$0x1C000] =	vst v63  }
0x13: {  	s17 =	simm.s32 $0x40;
	s18 =	simm.s32 $0x6000  }
0x14: {  	[tilespmem:s18], [sflag:$0x1] =	stream.indirect.gather [hbm4b:s3+s8], $0x80, s17, s8, $0xb8;
	[tilespmem:$0x1C000] =	vst v63  }
0x15: {  	s19 =	simm.s32 $0x60;
	s20 =	simm.s32 $0x7000  }
0x16: {  	[tilespmem:s20], [sflag:$0x1] =	stream.indirect.gather [hbm4b:s3+s8], $0x80, s19, s8, $0xb8;
	[tilespmem:$0x1C000] =	vst v63  }
0x17: {  	s21 =	simm.s32 $0x80;
	s22 =	simm.s32 $0x8000  }
0x18: {  	[tilespmem:s22], [sflag:$0x1] =	stream.indirect.gather [hbm4b:s3+s8], $0x80, s21, s8, $0xb8;
	[tilespmem:$0x1C000] =	vst v63  }
0x19: {  	s23 =	simm.s32 $0xA0;
	s24 =	simm.s32 $0x9000  }
0x1a: {  	[tilespmem:s24], [sflag:$0x1] =	stream.indirect.gather [hbm4b:s3+s8], $0x80, s23, s8, $0xb8;
	[tilespmem:$0x1C000] =	vst v63  }
0x1b: {  	s25 =	simm.s32 $0xC0;
	s26 =	simm.s32 $0xA000  }
0x1c: {  	[tilespmem:s26], [sflag:$0x1] =	stream.indirect.gather [hbm4b:s3+s8], $0x80, s25, s8, $0xb8;
	[tilespmem:$0x1C000] =	vst v63  }
0x1d: {  	s11 =	simm.s32 $0xE0;
	s12 =	simm.s32 $0xB000  }
0x1e: {  	[tilespmem:s12], [sflag:$0x1] =	stream.indirect.gather [hbm4b:s3+s8], $0x80, s11, s8, $0xb8;
	[tilespmem:$0x1C000] =	vst v63  }
0x1f: {  	s13 =	simm.s32 $0x100;
	s14 =	simm.s32 $0xC000  }
0x20: {  	[tilespmem:s14], [sflag:$0x2] =	stream.indirect.gather [hbm4b:s3+s8], $0x80, s13, s8, $0xb8;
	[tilespmem:$0x1C000] =	vst v63  }
0x21: {  	s15 =	simm.s32 $0x120;
	s16 =	simm.s32 $0xD000  }
0x22: {  	[tilespmem:s16], [sflag:$0x2] =	stream.indirect.gather [hbm4b:s3+s8], $0x80, s15, s8, $0xb8;
	[tilespmem:$0x1C000] =	vst v63  }
0x23: {  	s17 =	simm.s32 $0x140;
	s18 =	simm.s32 $0xE000  }
0x24: {  	[tilespmem:s18], [sflag:$0x2] =	stream.indirect.gather [hbm4b:s3+s8], $0x80, s17, s8, $0xb8;
	[tilespmem:$0x1C000] =	vst v63  }
0x25: {  	s19 =	simm.s32 $0x160;
	s20 =	simm.s32 $0xF000  }
0x26: {  	[tilespmem:s20], [sflag:$0x2] =	stream.indirect.gather [hbm4b:s3+s8], $0x80, s19, s8, $0xb8;
	[tilespmem:$0x1C000] =	vst v63  }
0x27: {  	s21 =	simm.s32 $0x180;
	s22 =	simm.s32 $0x10000  }
0x28: {  	[tilespmem:s22], [sflag:$0x2] =	stream.indirect.gather [hbm4b:s3+s8], $0x80, s21, s8, $0xb8;
	[tilespmem:$0x1C000] =	vst v63  }
0x29: {  	s23 =	simm.s32 $0x1A0;
	s24 =	simm.s32 $0x11000  }
0x2a: {  	[tilespmem:s24], [sflag:$0x2] =	stream.indirect.gather [hbm4b:s3+s8], $0x80, s23, s8, $0xb8;
	[tilespmem:$0x1C000] =	vst v63  }
0x2b: {  	s25 =	simm.s32 $0x1C0;
	s26 =	simm.s32 $0x12000  }
0x2c: {  	[tilespmem:s26], [sflag:$0x2] =	stream.indirect.gather [hbm4b:s3+s8], $0x80, s25, s8, $0xb8;
	[tilespmem:$0x1C000] =	vst v63  }
0x2d: {  	s10 =	simm.s32 $0x1E0;
	s11 =	simm.s32 $0x13000  }
0x2e: {  	[tilespmem:s11], [sflag:$0x2] =	stream.indirect.gather [hbm4b:s3+s8], $0x80, s10, s8, $0xb8;
	[tilespmem:$0x1C000] =	vst v63  }
0x2f: {  	s12 =	simm.s32 $0x200;
	s13 =	simm.s32 $0x14000  }
0x30: {  	[tilespmem:s13], [sflag:$0x3] =	stream.indirect.gather [hbm4b:s3+s8], $0x80, s12, s8, $0xb8;
	[tilespmem:$0x1C000] =	vst v63  }
0x31: {  	s14 =	simm.s32 $0x220;
	s15 =	simm.s32 $0x15000;
	s23 =	smul.u32 $0xAB, s2  }
0x32: {  	[tilespmem:s15], [sflag:$0x3] =	stream.indirect.gather [hbm4b:s3+s8], $0x80, s14, s8, $0xb8;
	[tilespmem:$0x1C000] =	vst v63  }
0x33: {  	s16 =	simm.s32 $0x240;
	s17 =	simm.s32 $0x16000;
	s9 =	sshrl.u32 s23, $0x9  }
0x34: {  	[tilespmem:s17], [sflag:$0x3] =	stream.indirect.gather [hbm4b:s3+s8], $0x80, s16, s8, $0xb8;
	[tilespmem:$0x1C000] =	vst v63  }
0x35: {  	s18 =	simm.s32 $0x260;
	s19 =	simm.s32 $0x17000;
	s9 =	sand.u32 $0x7F, s9  }
0x36: {  	[tilespmem:s19], [sflag:$0x3] =	stream.indirect.gather [hbm4b:s3+s8], $0x80, s18, s8, $0xb8;
	[tilespmem:$0x1C000] =	vst v63  }
0x37: {  	s20 =	simm.s32 $0x280;
	s21 =	simm.s32 $0x18000;
	s9 =	smul.u32 $0x3, s9  }
0x38: {  	[tilespmem:s21], [sflag:$0x3] =	stream.indirect.gather [hbm4b:s3+s8], $0x80, s20, s8, $0xb8;
	[tilespmem:$0x1C000] =	vst v63  }
0x39: {  	s22 =	simm.s32 $0x2A0;
	s9 =	ssub.s32 $0x0, s9  }
0x3a: {  	[tilespmem:s28], [sflag:$0x3] =	stream.indirect.gather [hbm4b:s3+s8], $0x80, s22, s8, $0xb8;
	[tilespmem:$0x1C000] =	vst v63  }
0x3b: {  	s9 =	sand.u32 $0xFF, s9  }
0x3c: {  	[tilespmem:s30], [sflag:$0x3] =	stream.indirect.gather [hbm4b:s3+s8], $0x80, s29, s8, $0xb8;
	[tilespmem:$0x1C000] =	vst v63  }
0x3d: {  	s12 =	sadd.s32 $0x1, s9  }
0x3e: {  	[tilespmem:s0], [sflag:$0x3] =	stream.indirect.gather [hbm4b:s3+s8], $0x80, s31, s8, $0xb8;
	[tilespmem:$0x1C000] =	vst v63  }
0x3f: {  	p0 =	por $0x0, $0x0;
	s10 =	simm.s32 $0x400;
	_ =	swait.ge [sflag:s12], $0x6800  }
0x40: {  	s13 =	simm.s32 $0x1;
	s11 =	sshll.u32 s9, $0xF;
	[sflag:s12] =	ssyncset.done $0x0  }
0x41: {  	s24 =	smul.u32 $0xAB, s13;
	s9 =	sor.u32 $0x4000, s11;
	[sflag:s12] =	ssyncadd.s32 $0xFFFF9800  }
0x42: {  	[hbm4b:s6+s2] =	stream.linear.scatter [tilespmem:s9], [sflag:$0x4], $0x8000, $0x38;
	[tilespmem:$0x1C000] =	vst v63  }
0x43: {  	s14 =	sadd.s32 @!p0 $0xB000, s11;
	p0 =	por p0, p0;
	_ =	swait.ge [sflag:s7], $0x8000  }
0x44: {  	s25 =	sshrl.u32 s24, $0x9;
	s15 =	simm.s32 @!p0 $0x300;
	[sflag:s7] =	ssyncset.done $0x0  }
0x45: {  	s17 =	simm.s32 @!p0 $0x1A;
	s16 =	simm.s32 @!p0 $0x320;
	[sflag:s7] =	ssyncadd.s32 $0xFFFF8000  }
0x46: {  	[tilespmem:s9], [sflag:s12] =	stream.indirect.gather @!p0 [hbm4b:s3+s17], $0x80, s15, s17, $0xb8;
	[tilespmem:$0x1C000] =	vst v63  }
0x47: {  	s18 =	sadd.s32 @!p0 $0x7000, s11;
	s19 =	sadd.s32 @!p0 $0x8000, s11;
	s15 =	sadd.s32 @!p0 $0x5000, s11  }
0x48: {  	[tilespmem:s15], [sflag:s12] =	stream.indirect.gather @!p0 [hbm4b:s3+s17], $0x80, s16, s17, $0xb8;
	[tilespmem:$0x1C000] =	vst v63  }
0x49: {  	s9 =	sadd.s32 @!p0 $0x6000, s11;
	s16 =	simm.s32 @!p0 $0x340;
	s15 =	sand.u32 $0x7F, s25  }
0x4a: {  	[tilespmem:s9], [sflag:s12] =	stream.indirect.gather @!p0 [hbm4b:s3+s17], $0x80, s16, s17, $0xb8;
	[tilespmem:$0x1C000] =	vst v63  }
0x4b: {  	s20 =	smul.u32 $0x3, s15;
	s16 =	simm.s32 @!p0 $0x3A0;
	s9 =	simm.s32 @!p0 $0x360  }
0x4c: {  	[tilespmem:s18], [sflag:s12] =	stream.indirect.gather @!p0 [hbm4b:s3+s17], $0x80, s9, s17, $0xb8;
	[tilespmem:$0x1C000] =	vst v63  }
0x4d: {  	s21 =	ssub.s32 $0x1, s20;
	s18 =	simm.s32 @!p0 $0x380;
	s9 =	simm.s32 $0x2  }
0x4e: {  	[tilespmem:s19], [sflag:s12] =	stream.indirect.gather @!p0 [hbm4b:s3+s17], $0x80, s18, s17, $0xb8;
	[tilespmem:$0x1C000] =	vst v63  }
0x4f: {  	s20 =	simm.s32 @!p0 $0x3E0;
	s26 =	smul.u32 $0xAB, s9;
	s18 =	sadd.s32 @!p0 $0x9000, s11  }
0x50: {  	[tilespmem:s18], [sflag:s12] =	stream.indirect.gather @!p0 [hbm4b:s3+s17], $0x80, s16, s17, $0xb8;
	[tilespmem:$0x1C000] =	vst v63  }
0x51: {  	s11 =	sadd.s32 @!p0 $0xA000, s11;
	s15 =	sshrl.u32 s26, $0x9;
	s16 =	simm.s32 @!p0 $0x3C0  }
0x52: {  	[tilespmem:s11], [sflag:s12] =	stream.indirect.gather @!p0 [hbm4b:s3+s17], $0x80, s16, s17, $0xb8;
	[tilespmem:$0x1C000] =	vst v63  }
0x53: {  	s18 =	simm.s32 $0xC00;
	s16 =	simm.s32 $0x800;
	s11 =	sadd.s32 $0x1000, s6  }
.LBB2_2:
0x54: {  	s21 =	sand.u32 $0xFF, s21;
	s19 =	smov.u32 s18  }
0x55: {  	s18 =	sadd.s32 $0x400, s18;
	s22 =	smov.u32 s11;
	s11 =	sadd.s32 $0x1000, s11  }
0x56: {  	p2 =	sgt.u32 s13, $0x3C;
	s23 =	sadd.s32 $0x1, s21;
	s21 =	sshll.u32 s21, $0xF  }
0x57: {  	[tilespmem:s14], [sflag:s12] =	stream.indirect.gather @!p0 [hbm4b:s3+s17], $0x80, s20, s17, $0xb8;
	[tilespmem:$0x1C000] =	vst v63  }
0x58: {  	p1 =	sne.s32 s18, $0x10000;
	s14 =	sadd.s32 @!p2 $0xB000, s21;
	_ =	swait.ge [sflag:s23], $0x6800  }
0x59: {  	s13 =	smov.u32 s9;
	s12 =	smov.u32 s23;
	[sflag:s23] =	ssyncset.done $0x0  }
0x5a: {  	s20 =	sor.u32 $0x4000, s21;
	p0 =	por p2, p2;
	[sflag:s12] =	ssyncadd.s32 $0xFFFF9800  }
0x5b: {  	[hbm4b:s22+s2] =	stream.linear.scatter [tilespmem:s20], [sflag:$0x4], $0x8000, $0x38;
	[tilespmem:$0x1C000] =	vst v63  }
0x5c: {  	s22 =	sshra.s32 @!p0 s10, $0x2;
	s10 =	smov.u32 s16;
	_ =	swait.ge [sflag:s7], $0x8000  }
0x5d: {  	s16 =	sadd.s32 @!p0 $0x3A0, s22;
	s23 =	sadd.s32 @!p0 $0x3C0, s22;
	[sflag:s7] =	ssyncset.done $0x0  }
0x5e: {  	s17 =	simm.s32 @!p0 $0x1A;
	s24 =	sadd.s32 @!p0 $0x300, s22;
	[sflag:s7] =	ssyncadd.s32 $0xFFFF8000  }
0x5f: {  	[tilespmem:s20], [sflag:s12] =	stream.indirect.gather @!p0 [hbm4b:s3+s17], $0x80, s24, s17, $0xb8;
	[tilespmem:$0x1C000] =	vst v63  }
0x60: {  	s25 =	sadd.s32 @!p0 $0x380, s22;
	s20 =	sadd.s32 @!p0 $0x5000, s21;
	s24 =	sadd.s32 @!p0 $0x320, s22  }
0x61: {  	[tilespmem:s20], [sflag:s12] =	stream.indirect.gather @!p0 [hbm4b:s3+s17], $0x80, s24, s17, $0xb8;
	[tilespmem:$0x1C000] =	vst v63  }
0x62: {  	s26 =	sadd.s32 @!p0 $0x360, s22;
	s20 =	sadd.s32 @!p0 $0x6000, s21;
	s24 =	sadd.s32 @!p0 $0x340, s22  }
0x63: {  	[tilespmem:s20], [sflag:s12] =	stream.indirect.gather @!p0 [hbm4b:s3+s17], $0x80, s24, s17, $0xb8;
	[tilespmem:$0x1C000] =	vst v63  }
0x64: {  	s9 =	sadd.s32 $0x1, s9;
	s20 =	sand.u32 $0x7F, s15;
	s15 =	sadd.s32 @!p0 $0x7000, s21  }
0x65: {  	[tilespmem:s15], [sflag:s12] =	stream.indirect.gather @!p0 [hbm4b:s3+s17], $0x80, s26, s17, $0xb8;
	[tilespmem:$0x1C000] =	vst v63  }
0x66: {  	s24 =	sadd.s32 @!p0 $0x8000, s21;
	s15 =	smul.u32 $0xAB, s9;
	s26 =	sadd.s32 @!p0 $0x9000, s21  }
0x67: {  	[tilespmem:s24], [sflag:s12] =	stream.indirect.gather @!p0 [hbm4b:s3+s17], $0x80, s25, s17, $0xb8;
	[tilespmem:$0x1C000] =	vst v63  }
.Ltmp0:
0x68: {  	_ = 	snop;
	(pc) =	sbr.rel @p1 .LBB2_2-.Ltmp0, $4  }
0x69: {  	s20 =	smul.u32 $0x3, s20;
	s15 =	sshrl.u32 s15, $0x9;
	s24 =	sadd.s32 @!p0 $0xA000, s21  }
0x6a: {  	[tilespmem:s26], [sflag:s12] =	stream.indirect.gather @!p0 [hbm4b:s3+s17], $0x80, s16, s17, $0xb8;
	[tilespmem:$0x1C000] =	vst v63  }
0x6b: {  	s21 =	ssub.s32 s13, s20;
	s20 =	sadd.s32 @!p0 $0x3E0, s22;
	s16 =	smov.u32 s19  }
0x6c: {  	[tilespmem:s24], [sflag:s12] =	stream.indirect.gather @!p0 [hbm4b:s3+s17], $0x80, s23, s17, $0xb8;
	[tilespmem:$0x1C000] =	vst v63  }
0x6d: {  	s18 =	sand.u32 $0xFF, s21  }
0x6e: {  	[tilespmem:s14], [sflag:s12] =	stream.indirect.gather @!p0 [hbm4b:s3+s17], $0x80, s20, s17, $0xb8;
	[tilespmem:$0x1C000] =	vst v63  }
0x6f: {  	s19 =	sadd.s32 $0x1, s18  }
0x70: {  	_ =	swait.ge [sflag:s19], $0x6800  }
0x71: {  	s12 =	sshll.u32 s18, $0xF;
	[sflag:s19] =	ssyncset.done $0x0  }
0x72: {  	p0 =	sgt.u32 s13, $0x3C;
	s13 =	sor.u32 $0x4000, s12;
	[sflag:s19] =	ssyncadd.s32 $0xFFFF9800  }
0x73: {  	[hbm4b:s11+s2] =	stream.linear.scatter [tilespmem:s13], [sflag:$0x4], $0x8000, $0x38;
	[tilespmem:$0x1C000] =	vst v63  }
0x74: {  	p1 =	por p0, p0;
	_ =	swait.ge [sflag:s7], $0x8000  }
0x75: {  	s10 =	sshra.s32 @!p1 s10, $0x2;
	[sflag:s7] =	ssyncset.done $0x0  }
0x76: {  	s17 =	simm.s32 @!p1 $0x1A;
	s14 =	sadd.s32 @!p1 $0x300, s10;
	[sflag:s7] =	ssyncadd.s32 $0xFFFF8000  }
0x77: {  	[tilespmem:s13], [sflag:s19] =	stream.indirect.gather @!p1 [hbm4b:s3+s17], $0x80, s14, s17, $0xb8;
	[tilespmem:$0x1C000] =	vst v63  }
0x78: {  	s13 =	sadd.s32 @!p1 $0x5000, s12;
	s14 =	sadd.s32 @!p1 $0x320, s10  }
0x79: {  	[tilespmem:s13], [sflag:s19] =	stream.indirect.gather @!p1 [hbm4b:s3+s17], $0x80, s14, s17, $0xb8;
	[tilespmem:$0x1C000] =	vst v63  }
0x7a: {  	s13 =	sadd.s32 @!p1 $0x6000, s12;
	s14 =	sadd.s32 @!p1 $0x340, s10  }
0x7b: {  	[tilespmem:s13], [sflag:s19] =	stream.indirect.gather @!p1 [hbm4b:s3+s17], $0x80, s14, s17, $0xb8;
	[tilespmem:$0x1C000] =	vst v63  }
0x7c: {  	s24 =	sand.u32 $0x7F, s15;
	s13 =	sadd.s32 @!p1 $0x360, s10;
	s14 =	sadd.s32 @!p1 $0x7000, s12  }
0x7d: {  	[tilespmem:s14], [sflag:s19] =	stream.indirect.gather @!p1 [hbm4b:s3+s17], $0x80, s13, s17, $0xb8;
	[tilespmem:$0x1C000] =	vst v63  }
0x7e: {  	s15 =	sadd.s32 @!p1 $0x8000, s12;
	s13 =	sadd.s32 @!p1 $0x380, s10;
	s14 =	smul.u32 $0x3, s24  }
0x7f: {  	[tilespmem:s15], [sflag:s19] =	stream.indirect.gather @!p1 [hbm4b:s3+s17], $0x80, s13, s17, $0xb8;
	[tilespmem:$0x1C000] =	vst v63  }
0x80: {  	s13 =	sadd.s32 @!p1 $0x3A0, s10;
	s15 =	sadd.s32 @!p1 $0x9000, s12;
	s14 =	ssub.s32 s9, s14  }
0x81: {  	[tilespmem:s15], [sflag:s19] =	stream.indirect.gather @!p1 [hbm4b:s3+s17], $0x80, s13, s17, $0xb8;
	[tilespmem:$0x1C000] =	vst v63  }
0x82: {  	s25 =	sand.u32 $0xFF, s14;
	s13 =	sadd.s32 @!p1 $0x3C0, s10;
	s15 =	sadd.s32 @!p1 $0xA000, s12  }
0x83: {  	[tilespmem:s15], [sflag:s19] =	stream.indirect.gather @!p1 [hbm4b:s3+s17], $0x80, s13, s17, $0xb8;
	[tilespmem:$0x1C000] =	vst v63  }
0x84: {  	s12 =	sadd.s32 @!p0 $0xB000, s12;
	s10 =	sadd.s32 @!p1 $0x3E0, s10;
	s14 =	sadd.s32 $0x1, s25  }
0x85: {  	[tilespmem:s12], [sflag:s19] =	stream.indirect.gather @!p1 [hbm4b:s3+s17], $0x80, s10, s17, $0xb8;
	[tilespmem:$0x1C000] =	vst v63  }
0x86: {  	_ =	swait.ge [sflag:s14], $0x6800  }
0x87: {  	s26 =	sadd.s32 $0x1000, s11;
	s11 =	sshll.u32 s25, $0xF;
	[sflag:s14] =	ssyncset.done $0x0  }
0x88: {  	p0 =	sgt.u32 s9, $0x3C;
	s9 =	sor.u32 $0x4000, s11;
	[sflag:s14] =	ssyncadd.s32 $0xFFFF9800  }
0x89: {  	[hbm4b:s26+s2] =	stream.linear.scatter [tilespmem:s9], [sflag:$0x4], $0x8000, $0x38;
	[tilespmem:$0x1C000] =	vst v63  }
0x8a: {  	p1 =	por p0, p0;
	_ =	swait.ge [sflag:s7], $0x8000  }
0x8b: {  	s10 =	sshra.s32 @!p1 s16, $0x2;
	[sflag:s7] =	ssyncset.done $0x0  }
0x8c: {  	s13 =	simm.s32 @!p1 $0x1A;
	s12 =	sadd.s32 @!p1 $0x300, s10;
	[sflag:s7] =	ssyncadd.s32 $0xFFFF8000  }
0x8d: {  	[tilespmem:s9], [sflag:s14] =	stream.indirect.gather @!p1 [hbm4b:s3+s13], $0x80, s12, s13, $0xb8;
	[tilespmem:$0x1C000] =	vst v63  }
0x8e: {  	s9 =	sadd.s32 @!p1 $0x5000, s11;
	s12 =	sadd.s32 @!p1 $0x320, s10  }
0x8f: {  	[tilespmem:s9], [sflag:s14] =	stream.indirect.gather @!p1 [hbm4b:s3+s13], $0x80, s12, s13, $0xb8;
	[tilespmem:$0x1C000] =	vst v63  }
0x90: {  	s9 =	sadd.s32 @!p1 $0x6000, s11;
	s12 =	sadd.s32 @!p1 $0x340, s10  }
0x91: {  	[tilespmem:s9], [sflag:s14] =	stream.indirect.gather @!p1 [hbm4b:s3+s13], $0x80, s12, s13, $0xb8;
	[tilespmem:$0x1C000] =	vst v63  }
0x92: {  	s9 =	sadd.s32 @!p1 $0x360, s10;
	s12 =	sadd.s32 @!p1 $0x7000, s11  }
0x93: {  	[tilespmem:s12], [sflag:s14] =	stream.indirect.gather @!p1 [hbm4b:s3+s13], $0x80, s9, s13, $0xb8;
	[tilespmem:$0x1C000] =	vst v63  }
0x94: {  	s9 =	sadd.s32 @!p1 $0x380, s10;
	s12 =	sadd.s32 @!p1 $0x8000, s11  }
0x95: {  	[tilespmem:s12], [sflag:s14] =	stream.indirect.gather @!p1 [hbm4b:s3+s13], $0x80, s9, s13, $0xb8;
	[tilespmem:$0x1C000] =	vst v63  }
0x96: {  	s9 =	sadd.s32 @!p1 $0x3A0, s10;
	s12 =	sadd.s32 @!p1 $0x9000, s11  }
0x97: {  	[tilespmem:s12], [sflag:s14] =	stream.indirect.gather @!p1 [hbm4b:s3+s13], $0x80, s9, s13, $0xb8;
	[tilespmem:$0x1C000] =	vst v63  }
0x98: {  	s1 =	sadd.s32 $0x1, s1;
	s9 =	sadd.s32 @!p1 $0x3C0, s10;
	s12 =	sadd.s32 @!p1 $0xA000, s11  }
0x99: {  	[tilespmem:s12], [sflag:s14] =	stream.indirect.gather @!p1 [hbm4b:s3+s13], $0x80, s9, s13, $0xb8;
	[tilespmem:$0x1C000] =	vst v63  }
0x9a: {  	s9 =	sadd.s32 @!p0 $0xB000, s11;
	p0 =	sne.s32 s1, s5  }
.Ltmp1:
0x9b: {  	_ = 	snop;
	(pc) =	sbr.rel @p0 .LBB2_1-.Ltmp1, $3  }
0x9c: {  	_ =	sdelay $0x1  }
0x9d: {  	s10 =	sadd.s32 @!p1 $0x3E0, s10  }
0x9e: {  	[tilespmem:s9], [sflag:s14] =	stream.indirect.gather @!p1 [hbm4b:s3+s13], $0x80, s10, s13, $0xb8;
	[tilespmem:$0x1C000] =	vst v63  }
0x9f: {  	_ =	sfence.sel $0x180000  }
0xa0: {  	[bflag:$0x0] =	sbarrier.arrive $0xFFFF  }
0xa1: {  	_ =	strace $0x90000047  }
0xa2: {  	s0 =	stileid.u32;
	[bflag:$0x2] =	sbarrier.arrive $0xFFFF  }
0xa3: {  	p0 =	sne.s32 s0, $0x0;
	s0 =	rddreg [dreg:$0x2]  }
0xa4: {  	s0 =	sadd.s32 @!p0 $0x100000, s0  }
0xa5: {  	[sflag:s0] =	ssyncadd.tile.s32 @!p0 $0x1;
	_ =	shalt  }
.Lfunc_end2:
_tile_overlayer_lowered:
.L_overlay_start_2:
0xa6: {  	(tag) =	ssettag $0x2  }
0xa7: {  	s0 =	rddreg [dreg:$0x0];
	s2 =	stileid.u32  }
0xa8: {  	s1 =	rddreg [dreg:$0x1];
	p0 =	sne.s32 s2, $0x0  }
0xa9: {  	s3 =	rddreg [dreg:$0x2];
	[bflag:$0x3] =	sbarrier.arrive $0xFFFF;
	s2 =	simm.s32 @!p0 $0x1C04  }
0xaa: {  	[timem:s3], [sflag:s2] =	dma.local @!p0 [hbm:s0], s1  }
0xab: {  	s0 =	simm.s32 @!p0 $0x4  }
0xac: {  	_ =	swait.ge @!p0 [sflag:s0], s1  }
0xad: {  	s1 =	ssub.s32 @!p0 $0x0, s1;
	[sflag:s0] =	ssyncset.done @!p0 $0x0  }
0xae: {  	[sflag:s0] =	ssyncadd.s32 @!p0 s1  }
0xaf: {  	[bflag:$0x3] =	sbarrier.arrive $0xFFFF  }
0xb0: {  	_ =	shalt  }

// kernel: sparse-core-data-format-call.cloned.1.call-start
scs
called_computation_lowered:
.L_overlay_start_0:
0x0: {  	s2 =	sld [smem:$0x3FD9]  }
0x1: {  	s3 =	sld [smem:$0x3FFE];
	_ =	sdelay $0x1  }
0x2: {  	s1 =	srdreg.scid  }
0x3: {  	s0 =	sand.u32 $0x1, s1  }
0x4: {  	s18 =	sshll.u32 s0, $0xA;
	s2 =	sadd.s32 s3, s2  }
0x5: {  	s2 =	sadd.s32 s2, s18  }
0x6: {  	[smem:$0x3FC6] =	sst s2  }
0x7: {  	_ = 	snop  }
0x8: {  	s2 =	sld [smem:$0x3FD0];
	(tm) =	ssettm $0x1  }
0x9: {  	s19 =	sld [smem:$0x3FFB];
	_ =	sdelay $0x3  }
0xa: {  	_ =	strace s19  }
0xb: {  	s3 =	sld [smem:$0x3FFC];
	_ =	sdelay $0x3  }
0xc: {  	_ =	strace s3  }
0xd: {  	s3 =	sld [smem:$0x3FFD];
	_ =	sdelay $0x3  }
0xe: {  	_ =	strace s3  }
0xf: {  	_ =	strace $0x8FFFFFFF  }
0x10: {  	s20 =	sld [smem:$0x3FDB];
	_ =	sdelay $0x1  }
0x11: {  	s4 =	simm.s32 $_scs_section_size  }
0x12: {  	s5 =	simm.s32 $_size__tile_overlayer_lowered;
	s6 =	simm.s32 $_tile_overlayer_lowered  }
0x13: {  	s23 =	simm.s32 $0x1BFF;
	s22 =	sshll.u32 s6, $0x1;
	s3 =	sadd.s32 s4, s20  }
0x14: {  	s7 =	simm.s32 $0x0;
	s21 =	sshll.u32 s5, $0x1;
	s5 =	sadd.s32 s22, s3  }
0x15: {  	[timem:s7], [sflag:s23] =	dma.local [hbm:s5], s21  }
0x16: {  	_ =	swait.ge [sflag:s23], s21  }
0x17: {  	s4 =	ssub.s32 $0x0, s21;
	[sflag:s23] =	ssyncset.done $0x0  }
0x18: {  	[sflag:s23] =	ssyncadd.s32 s4;
	_ =	sdelay $0x1  }
0x19: {  	s24 =	simm.s32 $0x1B8B  }
0x1a: {  	_ =	swait.ge [sflag:s24], $0x1  }
0x1b: {  	[sflag:s24] =	ssyncset.done $0x0  }
0x1c: {  	s26 =	simm.s32 $0x1B8E;
	s25 =	sld [smem:$0x3FFE];
	[sflag:s24] =	ssyncadd.s32 $0xFFFFFFFF  }
0x1d: {  	s27 =	simm.s32 $execute0_lowered;
	[smem:$0x3FD2] =	sst s26  }
0x1e: {  	s5 =	sshll.u32 s27, $0x1;
	_ =	strace $0x80000049;
	[dreg:$0x1] =	wrdreg $0xFFFFFFFF  }
0x1f: {  	s28 =	simm.s32 $_size_execute0_lowered;
	s3 =	sadd.s32 s3, s5;
	[dreg:$0x0] =	wrdreg $0x0  }
0x20: {  	s5 =	sshll.u32 s28, $0x1;
	[dreg:$0x2] =	wrdreg s3  }
0x21: {  	[dreg:$0x3] =	wrdreg s5  }
0x22: {  	[dreg:$0x4] =	wrdreg $0xC0  }
0x23: {  	_ =	task [dreg:s7], $0x5FFFF  }
0x24: {  	[dreg:$0x1] =	wrdreg $0xFFFFFFFF  }
0x25: {  	[dreg:$0x0] =	wrdreg $0x60  }
0x26: {  	[dreg:$0x2] =	wrdreg s25  }
0x27: {  	[dreg:$0x3] =	wrdreg s2  }
0x28: {  	[dreg:$0x4] =	wrdreg $0x9  }
0x29: {  	_ =	task.clear_ibuf [dreg:s7], $0x5FFFF;
	_ =	strace $0x90000049  }
0x2a: {  	s29 =	simm.s32 $0x9;
	_ =	strace $0x8000004B  }
0x2b: {  	_ =	swait.ge [sflag:s29], $0x1  }
0x2c: {  	[sflag:s29] =	ssyncadd.s32 $0xFFFFFFFF  }
0x2d: {  	_ =	strace $0x9000004B  }
0x2e: {  	_ =	sfence  }
0x2f: {  	s30 =	sld [smem:$0x0];
	_ =	sdelay $0x2  }
0x30: {  	s31 =	sshll.u32 s1, $0xD;
	s1 =	sshrl.u32 s1, $0x2  }
0x31: {  	s3 =	sand.u32 $0x4000, s31;
	s1 =	sadd.s32 s1, s30  }
0x32: {  	s0 =	sor.u32 s3, s0;
	s1 =	sshll.u32 s1, $0x11  }
0x33: {  	s0 =	sor.u32 s1, s0  }
0x34: {  	s0 =	sadd.s32 $0x8F2B, s0  }
0x35: {  	[sflag:s0] =	ssyncadd.remote.s32 $0x1  }
0x36: {  	_ =	sfence.sel $0xFFFF  }
0x37: {  	[dreg:$0x0] =	wrdreg $0xFFFFFFFF;
	(pc) =	sbr.abs _section_cstart, $3  }
0x38: {  	[dreg:$0x1] =	wrdreg $0xFFFFFFFF  }
0x39: {  	_ =	task.clear_ibuf [dreg:s7], $0x2FFFF;
	_ =	strace $0x9FFFFFFF  }
0x3a: {  	(tm) =	ssettm $0x7FFFFFFF  }
0x3b: {  	_ =	shalt  }
tec
execute0_lowered:
.L_overlay_start_1:
0x0: {  	(tag) =	ssettag $0x1  }
0x1: {  	s0 =	srdreg.scid  }
0x2: {  	s1 =	sshll.u32 s0, $0x4  }
0x3: {  	s0 =	stileid.u32;
	s1 =	sand.u32 $0x10, s1  }
0x4: {  	s1 =	sor.u32 s0, s1  }
0x5: {  	s6 =	rddreg [dreg:$0x0];
	s4 =	simm.s32 $0x1;
	s2 =	sshll.u32 s1, $0x7  }
0x6: {  	s7 =	simm.s32 $0x2;
	s12 =	simm.s32 $0x0;
	s1 =	ssub.s32 $0x4000, s2  }
0x7: {  	s8 =	simm.s32 $0x20000;
	s13 =	simm.s32 $0x0;
	s3 =	sand.u32 $0xF80, s1  }
0x8: {  	s9 =	simm.s32 $0x0;
	s5 =	sshrl.u32 s1, $0xC;
	p0 =	sne.s32 s3, $0x0  }
.Ltmp0:
0x9: {  	s1 =	rddreg [dreg:$0x2];
	s4 =	simm.s32 @!p0 $0x0;
	(pc) =	sbr.rel .LBB1_1-.Ltmp0, $4  }
0xa: {  	s11 =	simm.s32 $0x0;
	s3 =	rddreg [dreg:$0x1];
	s5 =	sadd.s32 s4, s5  }
0xb: {  	_ =	strace $0x8000004A;
	s4 =	simm.s32 $0x1;
	s5 =	smul.u32 $0x1A, s5  }
0xc: {  	s6 =	sadd.s32 $0xF42C00, s6;
	s10 =	smov.u32 s2;
	[sflag:s4] =	ssyncpa.u1 $0x0  }
0xd: {  	p0 =	por $0x0, $0x0;
	[sflag:s7] =	ssyncpa.u1 $0x0;
	s7 =	sor.u32 $0x1, s5  }
.LBB1_4:
0xe: {  	s16 =	sshll.u32 s13, $0x3;
	s17 =	sand.u32 $0x78, s13  }
0xf: {  	s30 =	sand.u32 $0x1F800, s13;
	s12 =	sshll.u32 s12, $0x11;
	s16 =	sand.u32 $0x3C00, s16  }
0x10: {  	[tilespmem:s15+$0x810 ss:$0x81] =	vst.msk $0xffff, v2;
	s31 =	sand.u32 $0x7, s13;
	s16 =	sor.u32 s17, s16;
	s17 =	sadd.s32 s3, s30  }
0x11: {  	[tilespmem:s15+$0x1020 ss:$0x81] =	vst.msk $0xffff, v0;
	s13 =	sshll.u32 s31, $0x12;
	s12 =	sadd.s32 s12, s17;
	s16 =	sshrl.u32 s16, $0x3  }
0x12: {  	[tilespmem:s15+$0x0 ss:$0x81] =	vst.msk $0xffff, v1;
	s13 =	sor.u32 $0x400, s13;
	s12 =	sadd.s32 s16, s12  }
0x13: {  	[hbm4b:s12+s13] =	stream.strided.scatter [tilespmem:s14], [sflag:$0x2], $0x2000, s8, s13, $0x20;
	[tilespmem:$0x8080] =	vst v63  }
.LBB1_5:
0x14: {  	s14 =	sadd.s32 $0x1, s9  }
0x15: {  	s12 =	sadd.s32 $0x1000, s10;
	s16 =	smov.u32 s10;
	p2 =	sgt.s32 s14, $0x19  }
0x16: {  	s16 =	smov.u32 @p2 s12  }
0x17: {  	s14 =	simm.s32 @p2 $0x0;
	p2 =	sgt.s32 s16, $0x3FFF  }
0x18: {  	s16 =	smov.u32 @p2 s2;
	p2 =	sne.s32 s11, s7  }
.Ltmp1:
0x19: {  	p1 =	slt.u32 s11, $0x2;
	(pc) =	sbr.rel @!p2 .LBB1_6-.Ltmp1, $4  }
0x1a: {  	s15 =	simm.s32 @!p1 $0x2  }
0x1b: {  	s13 =	smov.u32 s10;
	p0 =	por !p0, !p0;
	_ =	swait.ge @!p1 [sflag:s15], $0x2000  }
0x1c: {  	s12 =	smov.u32 s9;
	[sflag:s15] =	ssyncset.done @!p1 $0x0;
	s9 =	smov.u32 s14  }
0x1d: {  	s11 =	sadd.s32 $0x1, s11;
	[sflag:s15] =	ssyncadd.s32 @!p1 $0xFFFFE000;
	s10 =	smov.u32 s16  }
.LBB1_1:
0x1e: {  	p1 =	sge.u32 s11, s5  }
0x1f: {  	s31 =	sadd.s32 $0xFFFFFFFF, s11;
	s14 =	sxor.u32 @!p1 $0xFFFFFFFF, s11  }
0x20: {  	s15 =	sshll.u32 @!p1 s10, $0x9;
	s16 =	sshll.u32 @!p1 s9, $0x4;
	s17 =	simm.s32 @!p1 $0x1000  }
0x21: {  	s14 =	sshll.u32 @!p1 s14, $0xD;
	s16 =	sand.u32 @!p1 $0x1F0, s16;
	s15 =	sadd.s32 @!p1 s6, s15  }
0x22: {  	s14 =	sand.u32 @!p1 $0x2000, s14;
	s15 =	sadd.s32 @!p1 s16, s15;
	s16 =	simm.s32 @!p1 $0x40  }
0x23: {  	[tilespmem:s14], [sflag:$0x1] =	stream.strided.gather @!p1 [hbm4b:s15+s16], $0x2000, s17, s16, $0x38;
	[tilespmem:$0x8080] =	vst v63  }
0x24: {  	p1 =	sge.u32 s31, s5  }
.Ltmp2:
0x25: {  	_ = 	snop;
	(pc) =	sbr.rel @p1 .LBB1_5-.Ltmp2, $1  }
0x26: {  	_ =	sdelay $0x3  }
0x27: {  	s14 =	simm.s32 $0x1  }
0x28: {  	_ =	swait.ge [sflag:s4], $0x2000;
	s14 =	simm.s32 @!p0 $0x0  }
0x29: {  	[sflag:s4] =	ssyncset.done $0x0;
	s15 =	sshll.u32 s14, $0xD  }
0x2a: {  	[sflag:s4] =	ssyncadd.s32 $0xFFFFE000;
	s18 =	sor.u32 $0x20, s15  }
0x2b: {  	s14 =	smul.u32 $0x8100, s14;
	v3 =	vld [tilespmem:s18+$0x10]  }
0x2c: {  	s30 =	sand.u32 $0x1, s11;
	v2 =	vld [tilespmem:s18+$0xFFFFFFF0]  }
0x2d: {  	s15 =	smul.u32 $0x8100, s30;
	s14 =	sshrl.u32 s14, $0x2;
	v0 =	vld [tilespmem:s18+$0x0]  }
0x2e: {  	v1 =	vld [tilespmem:s18+$0xFFFFFFE0];
	s16 =	sor.u32 $0x4000, s14  }
0x2f: {  	s31 =	sshrl.u32 s15, $0x2;
	s15 =	sadd.s32 $0x0, s16  }
0x30: {  	s17 =	simm.s32 $0x4;
	s18 =	sadd.s32 $0x40, s18;
	s14 =	sor.u32 $0x4000, s31;
	[tilespmem:s15+$0x1830 ss:$0x81] =	vst.msk $0xffff, v3  }
.LBB1_3:
0x31: {  	v3 =	vld [tilespmem:s18+$0x10];
	p1 =	sne.s32 s17, $0x1FC;
	[tilespmem:s15+$0x810 ss:$0x81] =	vst.msk $0xffff, v2;
	s19 =	smov.u32 s17;
	s17 =	sadd.s32 $0x4, s17  }
.Ltmp3:
0x32: {  	v2 =	vld [tilespmem:s18+$0xFFFFFFF0];
	[tilespmem:s15+$0x1020 ss:$0x81] =	vst.msk $0xffff, v0;
	(pc) =	sbr.rel @p1 .LBB1_3-.Ltmp3, $4  }
0x33: {  	v0 =	vld [tilespmem:s18+$0x0];
	[tilespmem:s15+$0x0 ss:$0x81] =	vst.msk $0xffff, v1  }
0x34: {  	s15 =	sshra.s32 s19, $0x2;
	v1 =	vld [tilespmem:s18+$0xFFFFFFE0]  }
0x35: {  	s15 =	sadd.s32 s15, s16  }
0x36: {  	s18 =	sadd.s32 $0x40, s18;
	[tilespmem:s15+$0x1830 ss:$0x81] =	vst.msk $0xffff, v3  }
.Ltmp4:
0x37: {  	_ = 	snop;
	(pc) =	sbr.rel .LBB1_4-.Ltmp4, $1  }
0x38: {  	_ =	sdelay $0x3  }
.LBB1_6:
0x39: {  	_ =	sfence.sel $0x180000  }
0x3a: {  	s2 =	simm.s32 $0x1;
	[bflag:$0x0] =	sbarrier.arrive $0xFFFF  }
0x3b: {  	s31 =	simm.s32 $0x2;
	[sflag:s2] =	ssyncpa.u1 $0x1  }
0x3c: {  	[sflag:s31] =	ssyncpa.u1 $0x1  }
0x3d: {  	p0 =	sne.s32 s0, $0x0;
	_ =	strace $0x9000004A  }
0x3e: {  	s0 =	sadd.s32 @!p0 $0x100000, s1;
	[bflag:$0x2] =	sbarrier.arrive $0xFFFF  }
0x3f: {  	[sflag:s0] =	ssyncadd.tile.s32 @!p0 $0x1;
	_ =	shalt  }
.Lfunc_end1:
_tile_overlayer_lowered:
.L_overlay_start_2:
0x40: {  	(tag) =	ssettag $0x2  }
0x41: {  	s0 =	rddreg [dreg:$0x0];
	s2 =	stileid.u32  }
0x42: {  	s1 =	rddreg [dreg:$0x1];
	p0 =	sne.s32 s2, $0x0  }
0x43: {  	s3 =	rddreg [dreg:$0x2];
	[bflag:$0x3] =	sbarrier.arrive $0xFFFF;
	s2 =	simm.s32 @!p0 $0x1C01  }
0x44: {  	[timem:s3], [sflag:s2] =	dma.local @!p0 [hbm:s0], s1  }
0x45: {  	s0 =	simm.s32 @!p0 $0x1  }
0x46: {  	_ =	swait.ge @!p0 [sflag:s0], s1  }
0x47: {  	s1 =	ssub.s32 @!p0 $0x0, s1;
	[sflag:s0] =	ssyncset.done @!p0 $0x0  }
0x48: {  	[sflag:s0] =	ssyncadd.s32 @!p0 s1  }
0x49: {  	[bflag:$0x3] =	sbarrier.arrive $0xFFFF  }
0x4a: {  	_ =	shalt  }

</sc_bundles>
